<compile_context>
chip_gen: v7x
topology: tpu7x:2x2x1
jax: 0.10.2.dev20260603
libtpu: 0.0.44.dev20260713+nightly
codegen_flags: <defaults>
</compile_context>

<pallas_src>
import functools

import jax
import jax.numpy as jnp
from jax import lax
from jax.experimental import pallas as pl
from jax.experimental.pallas import tpu as pltpu
from jax.experimental.pallas import tpu_sc as plsc

N = 10000
E = 320000
D = 128
H = 64
G = 256

NC = 2
NS = 16
NW = NC * NS
CW = 128

ECHUNKS = 79
EPAD = NW * ECHUNKS * CW
NB = N + 112
ROWS_PER_TILE = NB // NS

BCHUNKS = 3
NPAD = NW * BCHUNKS * CW
PB = G + 128

_f32 = jnp.float32


def _mesh():
    return plsc.VectorSubcoreMesh(core_axis_name="c", subcore_axis_name="s",
                                  num_cores=NC, num_subcores=NS)



def _hist(cols3d, batch3d, ones16, zeros16):
    out_deg = jax.ShapeDtypeStruct((NC, NB, 16), _f32)
    out_cnt = jax.ShapeDtypeStruct((NC, PB, 16), _f32)

    @functools.partial(
        pl.kernel,
        compiler_params=pltpu.CompilerParams(use_tc_tiling_on_sc=False),
        out_type=(out_deg, out_cnt),
        mesh=_mesh(),
        scratch_types=[
            pltpu.VMEM_SHARED((NB, 16), _f32),
            pltpu.VMEM_SHARED((PB, 16), _f32),
            pltpu.VMEM((ECHUNKS, CW), jnp.int32),
            pltpu.VMEM((BCHUNKS, CW), jnp.int32),
            pltpu.VMEM((CW, 16), _f32),
        ],
    )
    def k(cols_hbm, batch_hbm, ones_hbm, z_hbm, deg_hbm, cnt_hbm,
          dacc, cacc, cidx, bidx, ones_v):
        c = lax.axis_index("c")
        s = lax.axis_index("s")
        wid = s * NC + c
        pltpu.sync_copy(z_hbm.at[pl.ds(0, ROWS_PER_TILE)],
                        dacc.at[pl.ds(s * ROWS_PER_TILE, ROWS_PER_TILE)])
        pltpu.sync_copy(z_hbm.at[pl.ds(0, PB // NS)],
                        cacc.at[pl.ds(s * (PB // NS), PB // NS)])
        pltpu.sync_copy(cols_hbm.at[wid], cidx)
        pltpu.sync_copy(batch_hbm.at[wid], bidx)
        pltpu.sync_copy(ones_hbm, ones_v)
        plsc.subcore_barrier()

        @pl.loop(0, ECHUNKS)
        def _(j):
            pltpu.sync_copy(ones_v, dacc.at[cidx.at[j]], add=True)

        for j in range(BCHUNKS):
            pltpu.sync_copy(ones_v, cacc.at[bidx.at[j]], add=True)
        plsc.subcore_barrier()
        pltpu.sync_copy(dacc.at[pl.ds(s * ROWS_PER_TILE, ROWS_PER_TILE)],
                        deg_hbm.at[c, pl.ds(s * ROWS_PER_TILE, ROWS_PER_TILE)])
        pltpu.sync_copy(cacc.at[pl.ds(s * (PB // NS), PB // NS)],
                        cnt_hbm.at[c, pl.ds(s * (PB // NS), PB // NS)])

    return k(cols3d, batch3d, ones16, zeros16)


def _aggregate(g, rows3d, cols3d, zeros64):

    @functools.partial(
        pl.kernel,
        compiler_params=pltpu.CompilerParams(use_tc_tiling_on_sc=False),
        out_type=jax.ShapeDtypeStruct((NC, NB, H), _f32),
        mesh=_mesh(),
        scratch_types=[
            pltpu.VMEM_SHARED((NB, H), _f32),
            pltpu.VMEM((ECHUNKS, CW), jnp.int32),
            pltpu.VMEM((ECHUNKS, CW), jnp.int32),
            pltpu.VMEM((CW, H), _f32),
        ],
    )
    def k(g_hbm, rows_hbm, cols_hbm, z_hbm, out_hbm, acc, ridx, cidx, gbuf):
        c = lax.axis_index("c")
        s = lax.axis_index("s")
        wid = s * NC + c
        pltpu.sync_copy(z_hbm.at[pl.ds(0, ROWS_PER_TILE)],
                        acc.at[pl.ds(s * ROWS_PER_TILE, ROWS_PER_TILE)])
        pltpu.sync_copy(rows_hbm.at[wid], ridx)
        pltpu.sync_copy(cols_hbm.at[wid], cidx)
        plsc.subcore_barrier()

        @pl.loop(0, ECHUNKS)
        def _(j):
            pltpu.sync_copy(g_hbm.at[ridx.at[j]], gbuf)
            pltpu.sync_copy(gbuf, acc.at[cidx.at[j]], add=True)

        plsc.subcore_barrier()
        pltpu.sync_copy(acc.at[pl.ds(s * ROWS_PER_TILE, ROWS_PER_TILE)],
                        out_hbm.at[c, pl.ds(s * ROWS_PER_TILE, ROWS_PER_TILE)])

    return k(g, rows3d, cols3d, zeros64)


def _pool(h3p, batch3d, zeros64):

    @functools.partial(
        pl.kernel,
        compiler_params=pltpu.CompilerParams(use_tc_tiling_on_sc=False),
        out_type=jax.ShapeDtypeStruct((NC, G, H), _f32),
        mesh=_mesh(),
        scratch_types=[
            pltpu.VMEM_SHARED((PB, H), _f32),
            pltpu.VMEM((BCHUNKS * CW, H), _f32),
            pltpu.VMEM((BCHUNKS, CW), jnp.int32),
        ],
    )
    def k(h_hbm, batch_hbm, z_hbm, out_hbm, acc, vbuf, bidx):
        c = lax.axis_index("c")
        s = lax.axis_index("s")
        wid = s * NC + c
        pltpu.sync_copy(z_hbm.at[pl.ds(0, PB // NS)],
                        acc.at[pl.ds(s * (PB // NS), PB // NS)])
        pltpu.sync_copy(h_hbm.at[pl.ds(wid * (BCHUNKS * CW), BCHUNKS * CW)],
                        vbuf)
        pltpu.sync_copy(batch_hbm.at[wid], bidx)
        plsc.subcore_barrier()
        for j in range(BCHUNKS):
            pltpu.sync_copy(vbuf.at[pl.ds(j * CW, CW)],
                            acc.at[bidx.at[j]], add=True)
        plsc.subcore_barrier()
        pltpu.sync_copy(acc.at[pl.ds(s * (G // NS), G // NS)],
                        out_hbm.at[c, pl.ds(s * (G // NS), G // NS)])

    return k(h3p, batch3d, zeros64)



def _dis_from(deg_ref):
    deg = deg_ref[0, :N, :1] + deg_ref[1, :N, :1] + 1.0
    return 1.0 / jnp.sqrt(deg)


def _l1_body(x_ref, w_ref, deg_ref, o_ref):
    dis = _dis_from(deg_ref)
    g = jnp.dot(x_ref[...], w_ref[...], preferred_element_type=_f32)
    o_ref[...] = g * dis


def _mid_body(acc_ref, g_ref, deg_ref, b_ref, w_ref, o_ref):
    dis = _dis_from(deg_ref)
    tot = acc_ref[0, :N, :] + acc_ref[1, :N, :] + g_ref[...]
    h = jnp.maximum(tot * dis + b_ref[...], 0.0)
    o_ref[...] = jnp.dot(h, w_ref[...], preferred_element_type=_f32) * dis


def _fin_body(acc_ref, g_ref, deg_ref, b_ref, o_ref):
    dis = _dis_from(deg_ref)
    tot = acc_ref[0, :N, :] + acc_ref[1, :N, :] + g_ref[...]
    h = jnp.maximum(tot * dis + b_ref[...], 0.0)
    o_ref[:N, :] = h
    o_ref[N:, :] = jnp.zeros((NPAD - N, H), _f32)


def _mlp_body(accp_ref, cnt_ref, w1_ref, b1_ref, w2_ref, b2_ref, o_ref):
    sums = accp_ref[0] + accp_ref[1]
    cnts = cnt_ref[0, :G, :1] + cnt_ref[1, :G, :1]
    pooled = sums / jnp.maximum(cnts, 1.0)
    r = jnp.maximum(
        jnp.dot(pooled, w1_ref[...], preferred_element_type=_f32)
        + b1_ref[...], 0.0)
    o_ref[...] = (jnp.dot(r, w2_ref[...], preferred_element_type=_f32)
                  + b2_ref[...])


def _tc_call(body, out_shape, *args):
    return pl.pallas_call(
        body, out_shape=jax.ShapeDtypeStruct(out_shape, _f32))(*args)



def kernel(x, edge_index, batch, W1, b1, W2, b2, W3, b3,
           fc1_W, fc1_b, fc2_W, fc2_b):
    row = edge_index[0]
    col = edge_index[1]
    rows3d = jnp.pad(row, (0, EPAD - E)).reshape(NW, ECHUNKS, CW)
    cols3d = jnp.pad(col, (0, EPAD - E),
                     constant_values=N).reshape(NW, ECHUNKS, CW)
    batch3d = jnp.pad(batch, (0, NPAD - N),
                      constant_values=G).reshape(NW, BCHUNKS, CW)
    zeros64 = jnp.zeros((ROWS_PER_TILE, H), _f32)
    zeros16 = jnp.zeros((ROWS_PER_TILE, 16), _f32)
    ones16 = jnp.ones((CW, 16), _f32)

    deg, cnt = _hist(cols3d, batch3d, ones16, zeros16)

    g1 = _tc_call(_l1_body, (N, H), x, W1, deg)
    acc1 = _aggregate(g1, rows3d, cols3d, zeros64)
    g2 = _tc_call(_mid_body, (N, H), acc1, g1, deg, b1.reshape(1, H), W2)
    acc2 = _aggregate(g2, rows3d, cols3d, zeros64)
    g3 = _tc_call(_mid_body, (N, H), acc2, g2, deg, b2.reshape(1, H), W3)
    acc3 = _aggregate(g3, rows3d, cols3d, zeros64)
    h3p = _tc_call(_fin_body, (NPAD, H), acc3, g3, deg, b3.reshape(1, H))

    accp = _pool(h3p, batch3d, zeros64)
    out = _tc_call(_mlp_body, (G, 1), accp, cnt, fc1_W,
                   fc1_b.reshape(1, 10), fc2_W, fc2_b.reshape(1, 1))
    return out

# --- scband reference (transcript-rebuilt; emitter-appended) ---
"""Pipeline reference for scband-gcn-net-64991445123451 (READ-ONLY COPY).

The authoritative reference and input builder live on the scoring server;
editing this copy changes nothing except your own understanding.
"""

import jax, jax.numpy as jnp
import numpy as np

N = 10000
E = 320000
D = 128
H = 64
G = 256

def setup_inputs(seed: int = 0):
    key = jax.random.key(seed)
    ks = jax.random.split(key, 12)
    x = jax.random.normal(ks[0], (N, D), dtype=jnp.float32)
    edge_index = jax.random.randint(ks[1], (2, E), 0, N, dtype=jnp.int32)
    batch = jnp.sort(jax.random.randint(ks[2], (N,), 0, G, dtype=jnp.int32))
    W1 = jax.random.normal(ks[3], (D, H), dtype=jnp.float32) * 0.05
    b1 = jnp.zeros((H,), dtype=jnp.float32)
    W2 = jax.random.normal(ks[4], (H, H), dtype=jnp.float32) * 0.05
    b2 = jnp.zeros((H,), dtype=jnp.float32)
    W3 = jax.random.normal(ks[5], (H, H), dtype=jnp.float32) * 0.05
    b3 = jnp.zeros((H,), dtype=jnp.float32)
    fc1_W = jax.random.normal(ks[6], (H, 10), dtype=jnp.float32) * 0.05
    fc1_b = jnp.zeros((10,), dtype=jnp.float32)
    fc2_W = jax.random.normal(ks[7], (10, 1), dtype=jnp.float32) * 0.05
    fc2_b = jnp.zeros((1,), dtype=jnp.float32)
    return {"x": x, "edge_index": edge_index, "batch": batch, "W1": W1, "b1": b1, "W2": W2, "b2": b2, "W3": W3, "b3": b3, "fc1_W": fc1_W, "fc1_b": fc1_b, "fc2_W": fc2_W, "fc2_b": fc2_b}

def reference(x, edge_index, batch, W1, b1, W2, b2, W3, b3, fc1_W, fc1_b, fc2_W, fc2_b):
    # GCNConv with self-loops and symmetric normalization (PyG semantics)
    loop = jnp.arange(N, dtype=edge_index.dtype)
    row = jnp.concatenate([edge_index[0], loop])
    col = jnp.concatenate([edge_index[1], loop])
    deg = jax.ops.segment_sum(jnp.ones_like(col, dtype=jnp.float32), col, num_segments=N)
    dis = jnp.where(deg > 0, 1.0 / jnp.sqrt(jnp.maximum(deg, 1.0)), 0.0)
    norm = dis[row] * dis[col]

    def gcn(h, W, b):
        hw = h @ W
        msg = hw[row] * norm[:, None]
        return jax.ops.segment_sum(msg, col, num_segments=N) + b

    h = jax.nn.relu(gcn(x, W1, b1))
    h = jax.nn.relu(gcn(h, W2, b2))
    h = jax.nn.relu(gcn(h, W3, b3))
    # global_mean_pool over graph ids
    sums = jax.ops.segment_sum(h, batch, num_segments=G)
    cnts = jax.ops.segment_sum(jnp.ones((N,), dtype=jnp.float32), batch, num_segments=G)
    pooled = sums / jnp.maximum(cnts, 1.0)[:, None]
    h = jax.nn.relu(pooled @ fc1_W + fc1_b)
    return h @ fc2_W + fc2_b

if __name__ == "__main__":
    import jax
    _d = setup_inputs()
    print(jax.jit(kernel)(*tuple(_d.values())))

</pallas_src>

<mosaic_0001>
#map = affine_map<(d0, d1) -> (0, 0, 0)>
#map1 = affine_map<(d0, d1) -> (0, 0)>
module attributes {stable_mosaic.version = 14 : i64} {
  func.func @k(%arg0: i32, %arg1: i32, %arg2: memref<32x79x128xi32, #tpu.memory_space<hbm>>, %arg3: memref<32x3x128xi32, #tpu.memory_space<hbm>>, %arg4: memref<128x16xf32, #tpu.memory_space<hbm>>, %arg5: memref<632x16xf32, #tpu.memory_space<hbm>>, %arg6: memref<2x10112x16xf32, #tpu.memory_space<hbm>>, %arg7: memref<2x384x16xf32, #tpu.memory_space<hbm>>, %arg8: memref<10112x16xf32, #tpu.memory_space<vmem_shared>>, %arg9: memref<384x16xf32, #tpu.memory_space<vmem_shared>>, %arg10: memref<79x128xi32, #tpu.memory_space<vmem>>, %arg11: memref<3x128xi32, #tpu.memory_space<vmem>>, %arg12: memref<128x16xf32, #tpu.memory_space<vmem>>) attributes {dimension_semantics = [#tpu.dimension_semantics<core_parallel>, #tpu.dimension_semantics<subcore_parallel>], iteration_bounds = array<i64: 2, 16>, scalar_prefetch = 0 : i64, scratch_operands = 5 : i64, tpu.core_type = #tpu.core_type<sc_vector_subcore>, window_params = [{transform_indices = #map}, {transform_indices = #map}, {transform_indices = #map1}, {transform_indices = #map1}, {transform_indices = #map}, {transform_indices = #map}]} {
    %mul3A = arith.constant 2 : i32
    %mul3A_0 = arith.muli %arg1, %mul3A : i32
    %add3A = arith.addi %mul3A_0, %arg0 : i32
    %mul3A_1 = arith.constant 632 : i32
    %mul3A_2 = arith.muli %arg1, %mul3A_1 : i32
    "tpu.region"() ({
      %run_scoped3A_20 = tpu.sem_alloc : memref<!tpu.dma_semaphore, #tpu.memory_space<semaphore_mem>>
      %dma_start3A = arith.constant 0 : i32
      %dma_start3A_21 = tpu.memref_slice %arg8[%mul3A_2, %dma_start3A] : memref<10112x16xf32, #tpu.memory_space<vmem_shared>> -> memref<632x16xf32, #tpu.memory_space<vmem_shared>>
      %dma_start3A_22 = arith.constant 0 : i32
      %dma_start3A_23 = arith.constant 0 : i32
      %dma_start3A_24 = tpu.memref_slice %arg5[%dma_start3A_22, %dma_start3A_23] : memref<632x16xf32, #tpu.memory_space<hbm>> -> memref<632x16xf32, #tpu.memory_space<hbm>>
      tpu.enqueue_dma source(%dma_start3A_24 : memref<632x16xf32, #tpu.memory_space<hbm>>) target(%dma_start3A_21 : memref<632x16xf32, #tpu.memory_space<vmem_shared>>) target_semaphore(%run_scoped3A_20 : memref<!tpu.dma_semaphore, #tpu.memory_space<semaphore_mem>>)
      %dma_wait3A = arith.constant 0 : i32
      %dma_wait3A_25 = tpu.memref_slice %arg8[%mul3A_2, %dma_wait3A] : memref<10112x16xf32, #tpu.memory_space<vmem_shared>> -> memref<632x16xf32, #tpu.memory_space<vmem_shared>>
      %dma_wait3A_26 = arith.constant 0 : i32
      %dma_wait3A_27 = arith.constant 0 : i32
      %dma_wait3A_28 = tpu.memref_slice %arg5[%dma_wait3A_26, %dma_wait3A_27] : memref<632x16xf32, #tpu.memory_space<hbm>> -> memref<632x16xf32, #tpu.memory_space<hbm>>
      tpu.wait_dma2 semaphore(%run_scoped3A_20 : memref<!tpu.dma_semaphore, #tpu.memory_space<semaphore_mem>>) src(%dma_wait3A_28 : memref<632x16xf32, #tpu.memory_space<hbm>>) dst(%dma_wait3A_25 : memref<632x16xf32, #tpu.memory_space<vmem_shared>>)
      tpu.yield
    }) : () -> ()
    %mul3A_3 = arith.constant 24 : i32
    %mul3A_4 = arith.muli %arg1, %mul3A_3 : i32
    "tpu.region"() ({
      %run_scoped3A_20 = tpu.sem_alloc : memref<!tpu.dma_semaphore, #tpu.memory_space<semaphore_mem>>
      %dma_start3A = arith.constant 0 : i32
      %dma_start3A_21 = tpu.memref_slice %arg9[%mul3A_4, %dma_start3A] : memref<384x16xf32, #tpu.memory_space<vmem_shared>> -> memref<24x16xf32, #tpu.memory_space<vmem_shared>>
      %dma_start3A_22 = arith.constant 0 : i32
      %dma_start3A_23 = arith.constant 0 : i32
      %dma_start3A_24 = tpu.memref_slice %arg5[%dma_start3A_22, %dma_start3A_23] : memref<632x16xf32, #tpu.memory_space<hbm>> -> memref<24x16xf32, #tpu.memory_space<hbm>>
      tpu.enqueue_dma source(%dma_start3A_24 : memref<24x16xf32, #tpu.memory_space<hbm>>) target(%dma_start3A_21 : memref<24x16xf32, #tpu.memory_space<vmem_shared>>) target_semaphore(%run_scoped3A_20 : memref<!tpu.dma_semaphore, #tpu.memory_space<semaphore_mem>>)
      %dma_wait3A = arith.constant 0 : i32
      %dma_wait3A_25 = tpu.memref_slice %arg9[%mul3A_4, %dma_wait3A] : memref<384x16xf32, #tpu.memory_space<vmem_shared>> -> memref<24x16xf32, #tpu.memory_space<vmem_shared>>
      %dma_wait3A_26 = arith.constant 0 : i32
      %dma_wait3A_27 = arith.constant 0 : i32
      %dma_wait3A_28 = tpu.memref_slice %arg5[%dma_wait3A_26, %dma_wait3A_27] : memref<632x16xf32, #tpu.memory_space<hbm>> -> memref<24x16xf32, #tpu.memory_space<hbm>>
      tpu.wait_dma2 semaphore(%run_scoped3A_20 : memref<!tpu.dma_semaphore, #tpu.memory_space<semaphore_mem>>) src(%dma_wait3A_28 : memref<24x16xf32, #tpu.memory_space<hbm>>) dst(%dma_wait3A_25 : memref<24x16xf32, #tpu.memory_space<vmem_shared>>)
      tpu.yield
    }) : () -> ()
    "tpu.region"() ({
      %run_scoped3A_20 = tpu.sem_alloc : memref<!tpu.dma_semaphore, #tpu.memory_space<semaphore_mem>>
      %dma_start3A = arith.constant 0 : i32
      %dma_start3A_21 = arith.constant 0 : i32
      %dma_start3A_22 = tpu.memref_slice %arg2[%add3A, %dma_start3A, %dma_start3A_21] : memref<32x79x128xi32, #tpu.memory_space<hbm>> -> memref<1x79x128xi32, #tpu.memory_space<hbm>>
      %dma_start3A_23 = tpu.memref_squeeze %dma_start3A_22 : memref<1x79x128xi32, #tpu.memory_space<hbm>> -> memref<79x128xi32, #tpu.memory_space<hbm>>
      %dma_start3A_24 = arith.constant 0 : i32
      %dma_start3A_25 = arith.constant 0 : i32
      %dma_start3A_26 = tpu.memref_slice %arg2[%add3A, %dma_start3A_24, %dma_start3A_25] : memref<32x79x128xi32, #tpu.memory_space<hbm>> -> memref<1x79x128xi32, #tpu.memory_space<hbm>>
      %dma_start3A_27 = tpu.memref_squeeze %dma_start3A_26 : memref<1x79x128xi32, #tpu.memory_space<hbm>> -> memref<79x128xi32, #tpu.memory_space<hbm>>
      tpu.enqueue_dma source(%dma_start3A_27 : memref<79x128xi32, #tpu.memory_space<hbm>>) target(%arg10 : memref<79x128xi32, #tpu.memory_space<vmem>>) target_semaphore(%run_scoped3A_20 : memref<!tpu.dma_semaphore, #tpu.memory_space<semaphore_mem>>)
      %dma_wait3A = arith.constant 0 : i32
      %dma_wait3A_28 = arith.constant 0 : i32
      %dma_wait3A_29 = tpu.memref_slice %arg2[%add3A, %dma_wait3A, %dma_wait3A_28] : memref<32x79x128xi32, #tpu.memory_space<hbm>> -> memref<1x79x128xi32, #tpu.memory_space<hbm>>
      %dma_wait3A_30 = tpu.memref_squeeze %dma_wait3A_29 : memref<1x79x128xi32, #tpu.memory_space<hbm>> -> memref<79x128xi32, #tpu.memory_space<hbm>>
      %dma_wait3A_31 = arith.constant 0 : i32
      %dma_wait3A_32 = arith.constant 0 : i32
      %dma_wait3A_33 = tpu.memref_slice %arg2[%add3A, %dma_wait3A_31, %dma_wait3A_32] : memref<32x79x128xi32, #tpu.memory_space<hbm>> -> memref<1x79x128xi32, #tpu.memory_space<hbm>>
      %dma_wait3A_34 = tpu.memref_squeeze %dma_wait3A_33 : memref<1x79x128xi32, #tpu.memory_space<hbm>> -> memref<79x128xi32, #tpu.memory_space<hbm>>
      tpu.wait_dma2 semaphore(%run_scoped3A_20 : memref<!tpu.dma_semaphore, #tpu.memory_space<semaphore_mem>>) src(%dma_wait3A_34 : memref<79x128xi32, #tpu.memory_space<hbm>>) dst(%arg10 : memref<79x128xi32, #tpu.memory_space<vmem>>)
      tpu.yield
    }) : () -> ()
    "tpu.region"() ({
      %run_scoped3A_20 = tpu.sem_alloc : memref<!tpu.dma_semaphore, #tpu.memory_space<semaphore_mem>>
      %dma_start3A = arith.constant 0 : i32
      %dma_start3A_21 = arith.constant 0 : i32
      %dma_start3A_22 = tpu.memref_slice %arg3[%add3A, %dma_start3A, %dma_start3A_21] : memref<32x3x128xi32, #tpu.memory_space<hbm>> -> memref<1x3x128xi32, #tpu.memory_space<hbm>>
      %dma_start3A_23 = tpu.memref_squeeze %dma_start3A_22 : memref<1x3x128xi32, #tpu.memory_space<hbm>> -> memref<3x128xi32, #tpu.memory_space<hbm>>
      %dma_start3A_24 = arith.constant 0 : i32
      %dma_start3A_25 = arith.constant 0 : i32
      %dma_start3A_26 = tpu.memref_slice %arg3[%add3A, %dma_start3A_24, %dma_start3A_25] : memref<32x3x128xi32, #tpu.memory_space<hbm>> -> memref<1x3x128xi32, #tpu.memory_space<hbm>>
      %dma_start3A_27 = tpu.memref_squeeze %dma_start3A_26 : memref<1x3x128xi32, #tpu.memory_space<hbm>> -> memref<3x128xi32, #tpu.memory_space<hbm>>
      tpu.enqueue_dma source(%dma_start3A_27 : memref<3x128xi32, #tpu.memory_space<hbm>>) target(%arg11 : memref<3x128xi32, #tpu.memory_space<vmem>>) target_semaphore(%run_scoped3A_20 : memref<!tpu.dma_semaphore, #tpu.memory_space<semaphore_mem>>)
      %dma_wait3A = arith.constant 0 : i32
      %dma_wait3A_28 = arith.constant 0 : i32
      %dma_wait3A_29 = tpu.memref_slice %arg3[%add3A, %dma_wait3A, %dma_wait3A_28] : memref<32x3x128xi32, #tpu.memory_space<hbm>> -> memref<1x3x128xi32, #tpu.memory_space<hbm>>
      %dma_wait3A_30 = tpu.memref_squeeze %dma_wait3A_29 : memref<1x3x128xi32, #tpu.memory_space<hbm>> -> memref<3x128xi32, #tpu.memory_space<hbm>>
      %dma_wait3A_31 = arith.constant 0 : i32
      %dma_wait3A_32 = arith.constant 0 : i32
      %dma_wait3A_33 = tpu.memref_slice %arg3[%add3A, %dma_wait3A_31, %dma_wait3A_32] : memref<32x3x128xi32, #tpu.memory_space<hbm>> -> memref<1x3x128xi32, #tpu.memory_space<hbm>>
      %dma_wait3A_34 = tpu.memref_squeeze %dma_wait3A_33 : memref<1x3x128xi32, #tpu.memory_space<hbm>> -> memref<3x128xi32, #tpu.memory_space<hbm>>
      tpu.wait_dma2 semaphore(%run_scoped3A_20 : memref<!tpu.dma_semaphore, #tpu.memory_space<semaphore_mem>>) src(%dma_wait3A_34 : memref<3x128xi32, #tpu.memory_space<hbm>>) dst(%arg11 : memref<3x128xi32, #tpu.memory_space<vmem>>)
      tpu.yield
    }) : () -> ()
    "tpu.region"() ({
      %run_scoped3A_20 = tpu.sem_alloc : memref<!tpu.dma_semaphore, #tpu.memory_space<semaphore_mem>>
      tpu.enqueue_dma source(%arg4 : memref<128x16xf32, #tpu.memory_space<hbm>>) target(%arg12 : memref<128x16xf32, #tpu.memory_space<vmem>>) target_semaphore(%run_scoped3A_20 : memref<!tpu.dma_semaphore, #tpu.memory_space<semaphore_mem>>)
      tpu.wait_dma2 semaphore(%run_scoped3A_20 : memref<!tpu.dma_semaphore, #tpu.memory_space<semaphore_mem>>) src(%arg4 : memref<128x16xf32, #tpu.memory_space<hbm>>) dst(%arg12 : memref<128x16xf32, #tpu.memory_space<vmem>>)
      tpu.yield
    }) : () -> ()
    %barrier3A = arith.constant 0 : index
    tpu.barrier barrier_id(%barrier3A)
    %scan3A = arith.constant 0 : i32
    %scan3A_5 = arith.constant 79 : i32
    %scan3A_6 = arith.addi %scan3A, %scan3A_5 : i32
    %scan3A_7 = arith.constant 1 : i32
    scf.for %scan3A_20 = %scan3A to %scan3A_6 step %scan3A_7  : i32 {
      %mul3A_21 = arith.constant 1 : i32
      %mul3A_22 = arith.muli %scan3A_20, %mul3A_21 : i32
      %add3A_23 = arith.constant 0 : i32
      %add3A_24 = arith.addi %add3A_23, %mul3A_22 : i32
      "tpu.region"() ({
        %run_scoped3A_25 = tpu.sem_alloc : memref<!tpu.dma_semaphore, #tpu.memory_space<semaphore_mem>>
        %dma_start3A = arith.constant 0 : i32
        %dma_start3A_26 = tpu.memref_slice %arg10[%add3A_24, %dma_start3A] : memref<79x128xi32, #tpu.memory_space<vmem>> -> memref<1x128xi32, #tpu.memory_space<vmem>>
        %dma_start3A_27 = tpu.memref_squeeze %dma_start3A_26 : memref<1x128xi32, #tpu.memory_space<vmem>> -> memref<128xi32, #tpu.memory_space<vmem>>
        %dma_start3A_28 = arith.constant 0 : i32
        %dma_start3A_29 = arith.constant 0 : i32
        %dma_start3A_30 = tpu.memref_slice %arg8[%dma_start3A_28, %dma_start3A_29] : memref<10112x16xf32, #tpu.memory_space<vmem_shared>> -> memref<10112x16xf32, #tpu.memory_space<vmem_shared>>
        tpu.enqueue_indirect_dma source(%arg12 : memref<128x16xf32, #tpu.memory_space<vmem>>) target(%dma_start3A_30 : memref<10112x16xf32, #tpu.memory_space<vmem_shared>>) offsets(%dma_start3A_27 : memref<128xi32, #tpu.memory_space<vmem>>) semaphore(%run_scoped3A_25 : memref<!tpu.dma_semaphore, #tpu.memory_space<semaphore_mem>>) {add = true}
        %dma_wait3A = arith.constant 0 : i32
        %dma_wait3A_31 = tpu.memref_slice %arg10[%add3A_24, %dma_wait3A] : memref<79x128xi32, #tpu.memory_space<vmem>> -> memref<1x128xi32, #tpu.memory_space<vmem>>
        %dma_wait3A_32 = tpu.memref_squeeze %dma_wait3A_31 : memref<1x128xi32, #tpu.memory_space<vmem>> -> memref<128xi32, #tpu.memory_space<vmem>>
        %dma_wait3A_33 = arith.constant 0 : i32
        %dma_wait3A_34 = arith.constant 0 : i32
        %dma_wait3A_35 = tpu.memref_slice %arg8[%dma_wait3A_33, %dma_wait3A_34] : memref<10112x16xf32, #tpu.memory_space<vmem_shared>> -> memref<10112x16xf32, #tpu.memory_space<vmem_shared>>
        tpu.wait_indirect_dma semaphore(%run_scoped3A_25 : memref<!tpu.dma_semaphore, #tpu.memory_space<semaphore_mem>>) src(%arg12 : memref<128x16xf32, #tpu.memory_space<vmem>>) dst(%dma_wait3A_35 : memref<10112x16xf32, #tpu.memory_space<vmem_shared>>)
        tpu.yield
      }) : () -> ()
    }
    %scan3A_8 = arith.constant 79 : i32
    %run_scoped3A = arith.constant 0 : i32
    "tpu.region"() ({
      %run_scoped3A_20 = tpu.sem_alloc : memref<!tpu.dma_semaphore, #tpu.memory_space<semaphore_mem>>
      %dma_start3A = arith.constant 0 : i32
      %dma_start3A_21 = tpu.memref_slice %arg11[%run_scoped3A, %dma_start3A] : memref<3x128xi32, #tpu.memory_space<vmem>> -> memref<1x128xi32, #tpu.memory_space<vmem>>
      %dma_start3A_22 = tpu.memref_squeeze %dma_start3A_21 : memref<1x128xi32, #tpu.memory_space<vmem>> -> memref<128xi32, #tpu.memory_space<vmem>>
      %dma_start3A_23 = arith.constant 0 : i32
      %dma_start3A_24 = arith.constant 0 : i32
      %dma_start3A_25 = tpu.memref_slice %arg9[%dma_start3A_23, %dma_start3A_24] : memref<384x16xf32, #tpu.memory_space<vmem_shared>> -> memref<384x16xf32, #tpu.memory_space<vmem_shared>>
      tpu.enqueue_indirect_dma source(%arg12 : memref<128x16xf32, #tpu.memory_space<vmem>>) target(%dma_start3A_25 : memref<384x16xf32, #tpu.memory_space<vmem_shared>>) offsets(%dma_start3A_22 : memref<128xi32, #tpu.memory_space<vmem>>) semaphore(%run_scoped3A_20 : memref<!tpu.dma_semaphore, #tpu.memory_space<semaphore_mem>>) {add = true}
      %dma_wait3A = arith.constant 0 : i32
      %dma_wait3A_26 = tpu.memref_slice %arg11[%run_scoped3A, %dma_wait3A] : memref<3x128xi32, #tpu.memory_space<vmem>> -> memref<1x128xi32, #tpu.memory_space<vmem>>
      %dma_wait3A_27 = tpu.memref_squeeze %dma_wait3A_26 : memref<1x128xi32, #tpu.memory_space<vmem>> -> memref<128xi32, #tpu.memory_space<vmem>>
      %dma_wait3A_28 = arith.constant 0 : i32
      %dma_wait3A_29 = arith.constant 0 : i32
      %dma_wait3A_30 = tpu.memref_slice %arg9[%dma_wait3A_28, %dma_wait3A_29] : memref<384x16xf32, #tpu.memory_space<vmem_shared>> -> memref<384x16xf32, #tpu.memory_space<vmem_shared>>
      tpu.wait_indirect_dma semaphore(%run_scoped3A_20 : memref<!tpu.dma_semaphore, #tpu.memory_space<semaphore_mem>>) src(%arg12 : memref<128x16xf32, #tpu.memory_space<vmem>>) dst(%dma_wait3A_30 : memref<384x16xf32, #tpu.memory_space<vmem_shared>>)
      tpu.yield
    }) : () -> ()
    %run_scoped3A_9 = arith.constant 1 : i32
    "tpu.region"() ({
      %run_scoped3A_20 = tpu.sem_alloc : memref<!tpu.dma_semaphore, #tpu.memory_space<semaphore_mem>>
      %dma_start3A = arith.constant 0 : i32
      %dma_start3A_21 = tpu.memref_slice %arg11[%run_scoped3A_9, %dma_start3A] : memref<3x128xi32, #tpu.memory_space<vmem>> -> memref<1x128xi32, #tpu.memory_space<vmem>>
      %dma_start3A_22 = tpu.memref_squeeze %dma_start3A_21 : memref<1x128xi32, #tpu.memory_space<vmem>> -> memref<128xi32, #tpu.memory_space<vmem>>
      %dma_start3A_23 = arith.constant 0 : i32
      %dma_start3A_24 = arith.constant 0 : i32
      %dma_start3A_25 = tpu.memref_slice %arg9[%dma_start3A_23, %dma_start3A_24] : memref<384x16xf32, #tpu.memory_space<vmem_shared>> -> memref<384x16xf32, #tpu.memory_space<vmem_shared>>
      tpu.enqueue_indirect_dma source(%arg12 : memref<128x16xf32, #tpu.memory_space<vmem>>) target(%dma_start3A_25 : memref<384x16xf32, #tpu.memory_space<vmem_shared>>) offsets(%dma_start3A_22 : memref<128xi32, #tpu.memory_space<vmem>>) semaphore(%run_scoped3A_20 : memref<!tpu.dma_semaphore, #tpu.memory_space<semaphore_mem>>) {add = true}
      %dma_wait3A = arith.constant 0 : i32
      %dma_wait3A_26 = tpu.memref_slice %arg11[%run_scoped3A_9, %dma_wait3A] : memref<3x128xi32, #tpu.memory_space<vmem>> -> memref<1x128xi32, #tpu.memory_space<vmem>>
      %dma_wait3A_27 = tpu.memref_squeeze %dma_wait3A_26 : memref<1x128xi32, #tpu.memory_space<vmem>> -> memref<128xi32, #tpu.memory_space<vmem>>
      %dma_wait3A_28 = arith.constant 0 : i32
      %dma_wait3A_29 = arith.constant 0 : i32
      %dma_wait3A_30 = tpu.memref_slice %arg9[%dma_wait3A_28, %dma_wait3A_29] : memref<384x16xf32, #tpu.memory_space<vmem_shared>> -> memref<384x16xf32, #tpu.memory_space<vmem_shared>>
      tpu.wait_indirect_dma semaphore(%run_scoped3A_20 : memref<!tpu.dma_semaphore, #tpu.memory_space<semaphore_mem>>) src(%arg12 : memref<128x16xf32, #tpu.memory_space<vmem>>) dst(%dma_wait3A_30 : memref<384x16xf32, #tpu.memory_space<vmem_shared>>)
      tpu.yield
    }) : () -> ()
    %run_scoped3A_10 = arith.constant 2 : i32
    "tpu.region"() ({
      %run_scoped3A_20 = tpu.sem_alloc : memref<!tpu.dma_semaphore, #tpu.memory_space<semaphore_mem>>
      %dma_start3A = arith.constant 0 : i32
      %dma_start3A_21 = tpu.memref_slice %arg11[%run_scoped3A_10, %dma_start3A] : memref<3x128xi32, #tpu.memory_space<vmem>> -> memref<1x128xi32, #tpu.memory_space<vmem>>
      %dma_start3A_22 = tpu.memref_squeeze %dma_start3A_21 : memref<1x128xi32, #tpu.memory_space<vmem>> -> memref<128xi32, #tpu.memory_space<vmem>>
      %dma_start3A_23 = arith.constant 0 : i32
      %dma_start3A_24 = arith.constant 0 : i32
      %dma_start3A_25 = tpu.memref_slice %arg9[%dma_start3A_23, %dma_start3A_24] : memref<384x16xf32, #tpu.memory_space<vmem_shared>> -> memref<384x16xf32, #tpu.memory_space<vmem_shared>>
      tpu.enqueue_indirect_dma source(%arg12 : memref<128x16xf32, #tpu.memory_space<vmem>>) target(%dma_start3A_25 : memref<384x16xf32, #tpu.memory_space<vmem_shared>>) offsets(%dma_start3A_22 : memref<128xi32, #tpu.memory_space<vmem>>) semaphore(%run_scoped3A_20 : memref<!tpu.dma_semaphore, #tpu.memory_space<semaphore_mem>>) {add = true}
      %dma_wait3A = arith.constant 0 : i32
      %dma_wait3A_26 = tpu.memref_slice %arg11[%run_scoped3A_10, %dma_wait3A] : memref<3x128xi32, #tpu.memory_space<vmem>> -> memref<1x128xi32, #tpu.memory_space<vmem>>
      %dma_wait3A_27 = tpu.memref_squeeze %dma_wait3A_26 : memref<1x128xi32, #tpu.memory_space<vmem>> -> memref<128xi32, #tpu.memory_space<vmem>>
      %dma_wait3A_28 = arith.constant 0 : i32
      %dma_wait3A_29 = arith.constant 0 : i32
      %dma_wait3A_30 = tpu.memref_slice %arg9[%dma_wait3A_28, %dma_wait3A_29] : memref<384x16xf32, #tpu.memory_space<vmem_shared>> -> memref<384x16xf32, #tpu.memory_space<vmem_shared>>
      tpu.wait_indirect_dma semaphore(%run_scoped3A_20 : memref<!tpu.dma_semaphore, #tpu.memory_space<semaphore_mem>>) src(%arg12 : memref<128x16xf32, #tpu.memory_space<vmem>>) dst(%dma_wait3A_30 : memref<384x16xf32, #tpu.memory_space<vmem_shared>>)
      tpu.yield
    }) : () -> ()
    %barrier3A_11 = arith.constant 0 : index
    tpu.barrier barrier_id(%barrier3A_11)
    %mul3A_12 = arith.constant 632 : i32
    %mul3A_13 = arith.muli %arg1, %mul3A_12 : i32
    %mul3A_14 = arith.constant 632 : i32
    %mul3A_15 = arith.muli %arg1, %mul3A_14 : i32
    "tpu.region"() ({
      %run_scoped3A_20 = tpu.sem_alloc : memref<!tpu.dma_semaphore, #tpu.memory_space<semaphore_mem>>
      %dma_start3A = arith.constant 0 : i32
      %dma_start3A_21 = tpu.memref_slice %arg6[%arg0, %mul3A_15, %dma_start3A] : memref<2x10112x16xf32, #tpu.memory_space<hbm>> -> memref<1x632x16xf32, #tpu.memory_space<hbm>>
      %dma_start3A_22 = tpu.memref_squeeze %dma_start3A_21 : memref<1x632x16xf32, #tpu.memory_space<hbm>> -> memref<632x16xf32, #tpu.memory_space<hbm>>
      %dma_start3A_23 = arith.constant 0 : i32
      %dma_start3A_24 = tpu.memref_slice %arg8[%mul3A_13, %dma_start3A_23] : memref<10112x16xf32, #tpu.memory_space<vmem_shared>> -> memref<632x16xf32, #tpu.memory_space<vmem_shared>>
      tpu.enqueue_dma source(%dma_start3A_24 : memref<632x16xf32, #tpu.memory_space<vmem_shared>>) target(%dma_start3A_22 : memref<632x16xf32, #tpu.memory_space<hbm>>) target_semaphore(%run_scoped3A_20 : memref<!tpu.dma_semaphore, #tpu.memory_space<semaphore_mem>>)
      %dma_wait3A = arith.constant 0 : i32
      %dma_wait3A_25 = tpu.memref_slice %arg6[%arg0, %mul3A_15, %dma_wait3A] : memref<2x10112x16xf32, #tpu.memory_space<hbm>> -> memref<1x632x16xf32, #tpu.memory_space<hbm>>
      %dma_wait3A_26 = tpu.memref_squeeze %dma_wait3A_25 : memref<1x632x16xf32, #tpu.memory_space<hbm>> -> memref<632x16xf32, #tpu.memory_space<hbm>>
      %dma_wait3A_27 = arith.constant 0 : i32
      %dma_wait3A_28 = tpu.memref_slice %arg8[%mul3A_13, %dma_wait3A_27] : memref<10112x16xf32, #tpu.memory_space<vmem_shared>> -> memref<632x16xf32, #tpu.memory_space<vmem_shared>>
      tpu.wait_dma2 semaphore(%run_scoped3A_20 : memref<!tpu.dma_semaphore, #tpu.memory_space<semaphore_mem>>) src(%dma_wait3A_28 : memref<632x16xf32, #tpu.memory_space<vmem_shared>>) dst(%dma_wait3A_26 : memref<632x16xf32, #tpu.memory_space<hbm>>)
      tpu.yield
    }) : () -> ()
    %mul3A_16 = arith.constant 24 : i32
    %mul3A_17 = arith.muli %arg1, %mul3A_16 : i32
    %mul3A_18 = arith.constant 24 : i32
    %mul3A_19 = arith.muli %arg1, %mul3A_18 : i32
    "tpu.region"() ({
      %run_scoped3A_20 = tpu.sem_alloc : memref<!tpu.dma_semaphore, #tpu.memory_space<semaphore_mem>>
      %dma_start3A = arith.constant 0 : i32
      %dma_start3A_21 = tpu.memref_slice %arg7[%arg0, %mul3A_19, %dma_start3A] : memref<2x384x16xf32, #tpu.memory_space<hbm>> -> memref<1x24x16xf32, #tpu.memory_space<hbm>>
      %dma_start3A_22 = tpu.memref_squeeze %dma_start3A_21 : memref<1x24x16xf32, #tpu.memory_space<hbm>> -> memref<24x16xf32, #tpu.memory_space<hbm>>
      %dma_start3A_23 = arith.constant 0 : i32
      %dma_start3A_24 = tpu.memref_slice %arg9[%mul3A_17, %dma_start3A_23] : memref<384x16xf32, #tpu.memory_space<vmem_shared>> -> memref<24x16xf32, #tpu.memory_space<vmem_shared>>
      tpu.enqueue_dma source(%dma_start3A_24 : memref<24x16xf32, #tpu.memory_space<vmem_shared>>) target(%dma_start3A_22 : memref<24x16xf32, #tpu.memory_space<hbm>>) target_semaphore(%run_scoped3A_20 : memref<!tpu.dma_semaphore, #tpu.memory_space<semaphore_mem>>)
      %dma_wait3A = arith.constant 0 : i32
      %dma_wait3A_25 = tpu.memref_slice %arg7[%arg0, %mul3A_19, %dma_wait3A] : memref<2x384x16xf32, #tpu.memory_space<hbm>> -> memref<1x24x16xf32, #tpu.memory_space<hbm>>
      %dma_wait3A_26 = tpu.memref_squeeze %dma_wait3A_25 : memref<1x24x16xf32, #tpu.memory_space<hbm>> -> memref<24x16xf32, #tpu.memory_space<hbm>>
      %dma_wait3A_27 = arith.constant 0 : i32
      %dma_wait3A_28 = tpu.memref_slice %arg9[%mul3A_17, %dma_wait3A_27] : memref<384x16xf32, #tpu.memory_space<vmem_shared>> -> memref<24x16xf32, #tpu.memory_space<vmem_shared>>
      tpu.wait_dma2 semaphore(%run_scoped3A_20 : memref<!tpu.dma_semaphore, #tpu.memory_space<semaphore_mem>>) src(%dma_wait3A_28 : memref<24x16xf32, #tpu.memory_space<vmem_shared>>) dst(%dma_wait3A_26 : memref<24x16xf32, #tpu.memory_space<hbm>>)
      tpu.yield
    }) : () -> ()
    return
  }
}

#map = affine_map<(d0, d1) -> (0, 0)>
#map1 = affine_map<(d0, d1) -> (0, 0, 0)>
module attributes {stable_mosaic.version = 14 : i64} {
  func.func @k(%arg0: i32, %arg1: i32, %arg2: memref<10000x64xf32, #tpu.memory_space<hbm>>, %arg3: memref<32x79x128xi32, #tpu.memory_space<hbm>>, %arg4: memref<32x79x128xi32, #tpu.memory_space<hbm>>, %arg5: memref<632x64xf32, #tpu.memory_space<hbm>>, %arg6: memref<2x10112x64xf32, #tpu.memory_space<hbm>>, %arg7: memref<10112x64xf32, #tpu.memory_space<vmem_shared>>, %arg8: memref<79x128xi32, #tpu.memory_space<vmem>>, %arg9: memref<79x128xi32, #tpu.memory_space<vmem>>, %arg10: memref<128x64xf32, #tpu.memory_space<vmem>>) attributes {dimension_semantics = [#tpu.dimension_semantics<core_parallel>, #tpu.dimension_semantics<subcore_parallel>], iteration_bounds = array<i64: 2, 16>, scalar_prefetch = 0 : i64, scratch_operands = 4 : i64, tpu.core_type = #tpu.core_type<sc_vector_subcore>, window_params = [{transform_indices = #map}, {transform_indices = #map1}, {transform_indices = #map1}, {transform_indices = #map}, {transform_indices = #map1}]} {
    %mul3A = arith.constant 2 : i32
    %mul3A_0 = arith.muli %arg1, %mul3A : i32
    %add3A = arith.addi %mul3A_0, %arg0 : i32
    %mul3A_1 = arith.constant 632 : i32
    %mul3A_2 = arith.muli %arg1, %mul3A_1 : i32
    "tpu.region"() ({
      %run_scoped3A = tpu.sem_alloc : memref<!tpu.dma_semaphore, #tpu.memory_space<semaphore_mem>>
      %dma_start3A = arith.constant 0 : i32
      %dma_start3A_12 = tpu.memref_slice %arg7[%mul3A_2, %dma_start3A] : memref<10112x64xf32, #tpu.memory_space<vmem_shared>> -> memref<632x64xf32, #tpu.memory_space<vmem_shared>>
      %dma_start3A_13 = arith.constant 0 : i32
      %dma_start3A_14 = arith.constant 0 : i32
      %dma_start3A_15 = tpu.memref_slice %arg5[%dma_start3A_13, %dma_start3A_14] : memref<632x64xf32, #tpu.memory_space<hbm>> -> memref<632x64xf32, #tpu.memory_space<hbm>>
      tpu.enqueue_dma source(%dma_start3A_15 : memref<632x64xf32, #tpu.memory_space<hbm>>) target(%dma_start3A_12 : memref<632x64xf32, #tpu.memory_space<vmem_shared>>) target_semaphore(%run_scoped3A : memref<!tpu.dma_semaphore, #tpu.memory_space<semaphore_mem>>)
      %dma_wait3A = arith.constant 0 : i32
      %dma_wait3A_16 = tpu.memref_slice %arg7[%mul3A_2, %dma_wait3A] : memref<10112x64xf32, #tpu.memory_space<vmem_shared>> -> memref<632x64xf32, #tpu.memory_space<vmem_shared>>
      %dma_wait3A_17 = arith.constant 0 : i32
      %dma_wait3A_18 = arith.constant 0 : i32
      %dma_wait3A_19 = tpu.memref_slice %arg5[%dma_wait3A_17, %dma_wait3A_18] : memref<632x64xf32, #tpu.memory_space<hbm>> -> memref<632x64xf32, #tpu.memory_space<hbm>>
      tpu.wait_dma2 semaphore(%run_scoped3A : memref<!tpu.dma_semaphore, #tpu.memory_space<semaphore_mem>>) src(%dma_wait3A_19 : memref<632x64xf32, #tpu.memory_space<hbm>>) dst(%dma_wait3A_16 : memref<632x64xf32, #tpu.memory_space<vmem_shared>>)
      tpu.yield
    }) : () -> ()
    "tpu.region"() ({
      %run_scoped3A = tpu.sem_alloc : memref<!tpu.dma_semaphore, #tpu.memory_space<semaphore_mem>>
      %dma_start3A = arith.constant 0 : i32
      %dma_start3A_12 = arith.constant 0 : i32
      %dma_start3A_13 = tpu.memref_slice %arg3[%add3A, %dma_start3A, %dma_start3A_12] : memref<32x79x128xi32, #tpu.memory_space<hbm>> -> memref<1x79x128xi32, #tpu.memory_space<hbm>>
      %dma_start3A_14 = tpu.memref_squeeze %dma_start3A_13 : memref<1x79x128xi32, #tpu.memory_space<hbm>> -> memref<79x128xi32, #tpu.memory_space<hbm>>
      %dma_start3A_15 = arith.constant 0 : i32
      %dma_start3A_16 = arith.constant 0 : i32
      %dma_start3A_17 = tpu.memref_slice %arg3[%add3A, %dma_start3A_15, %dma_start3A_16] : memref<32x79x128xi32, #tpu.memory_space<hbm>> -> memref<1x79x128xi32, #tpu.memory_space<hbm>>
      %dma_start3A_18 = tpu.memref_squeeze %dma_start3A_17 : memref<1x79x128xi32, #tpu.memory_space<hbm>> -> memref<79x128xi32, #tpu.memory_space<hbm>>
      tpu.enqueue_dma source(%dma_start3A_18 : memref<79x128xi32, #tpu.memory_space<hbm>>) target(%arg8 : memref<79x128xi32, #tpu.memory_space<vmem>>) target_semaphore(%run_scoped3A : memref<!tpu.dma_semaphore, #tpu.memory_space<semaphore_mem>>)
      %dma_wait3A = arith.constant 0 : i32
      %dma_wait3A_19 = arith.constant 0 : i32
      %dma_wait3A_20 = tpu.memref_slice %arg3[%add3A, %dma_wait3A, %dma_wait3A_19] : memref<32x79x128xi32, #tpu.memory_space<hbm>> -> memref<1x79x128xi32, #tpu.memory_space<hbm>>
      %dma_wait3A_21 = tpu.memref_squeeze %dma_wait3A_20 : memref<1x79x128xi32, #tpu.memory_space<hbm>> -> memref<79x128xi32, #tpu.memory_space<hbm>>
      %dma_wait3A_22 = arith.constant 0 : i32
      %dma_wait3A_23 = arith.constant 0 : i32
      %dma_wait3A_24 = tpu.memref_slice %arg3[%add3A, %dma_wait3A_22, %dma_wait3A_23] : memref<32x79x128xi32, #tpu.memory_space<hbm>> -> memref<1x79x128xi32, #tpu.memory_space<hbm>>
      %dma_wait3A_25 = tpu.memref_squeeze %dma_wait3A_24 : memref<1x79x128xi32, #tpu.memory_space<hbm>> -> memref<79x128xi32, #tpu.memory_space<hbm>>
      tpu.wait_dma2 semaphore(%run_scoped3A : memref<!tpu.dma_semaphore, #tpu.memory_space<semaphore_mem>>) src(%dma_wait3A_25 : memref<79x128xi32, #tpu.memory_space<hbm>>) dst(%arg8 : memref<79x128xi32, #tpu.memory_space<vmem>>)
      tpu.yield
    }) : () -> ()
    "tpu.region"() ({
      %run_scoped3A = tpu.sem_alloc : memref<!tpu.dma_semaphore, #tpu.memory_space<semaphore_mem>>
      %dma_start3A = arith.constant 0 : i32
      %dma_start3A_12 = arith.constant 0 : i32
      %dma_start3A_13 = tpu.memref_slice %arg4[%add3A, %dma_start3A, %dma_start3A_12] : memref<32x79x128xi32, #tpu.memory_space<hbm>> -> memref<1x79x128xi32, #tpu.memory_space<hbm>>
      %dma_start3A_14 = tpu.memref_squeeze %dma_start3A_13 : memref<1x79x128xi32, #tpu.memory_space<hbm>> -> memref<79x128xi32, #tpu.memory_space<hbm>>
      %dma_start3A_15 = arith.constant 0 : i32
      %dma_start3A_16 = arith.constant 0 : i32
      %dma_start3A_17 = tpu.memref_slice %arg4[%add3A, %dma_start3A_15, %dma_start3A_16] : memref<32x79x128xi32, #tpu.memory_space<hbm>> -> memref<1x79x128xi32, #tpu.memory_space<hbm>>
      %dma_start3A_18 = tpu.memref_squeeze %dma_start3A_17 : memref<1x79x128xi32, #tpu.memory_space<hbm>> -> memref<79x128xi32, #tpu.memory_space<hbm>>
      tpu.enqueue_dma source(%dma_start3A_18 : memref<79x128xi32, #tpu.memory_space<hbm>>) target(%arg9 : memref<79x128xi32, #tpu.memory_space<vmem>>) target_semaphore(%run_scoped3A : memref<!tpu.dma_semaphore, #tpu.memory_space<semaphore_mem>>)
      %dma_wait3A = arith.constant 0 : i32
      %dma_wait3A_19 = arith.constant 0 : i32
      %dma_wait3A_20 = tpu.memref_slice %arg4[%add3A, %dma_wait3A, %dma_wait3A_19] : memref<32x79x128xi32, #tpu.memory_space<hbm>> -> memref<1x79x128xi32, #tpu.memory_space<hbm>>
      %dma_wait3A_21 = tpu.memref_squeeze %dma_wait3A_20 : memref<1x79x128xi32, #tpu.memory_space<hbm>> -> memref<79x128xi32, #tpu.memory_space<hbm>>
      %dma_wait3A_22 = arith.constant 0 : i32
      %dma_wait3A_23 = arith.constant 0 : i32
      %dma_wait3A_24 = tpu.memref_slice %arg4[%add3A, %dma_wait3A_22, %dma_wait3A_23] : memref<32x79x128xi32, #tpu.memory_space<hbm>> -> memref<1x79x128xi32, #tpu.memory_space<hbm>>
      %dma_wait3A_25 = tpu.memref_squeeze %dma_wait3A_24 : memref<1x79x128xi32, #tpu.memory_space<hbm>> -> memref<79x128xi32, #tpu.memory_space<hbm>>
      tpu.wait_dma2 semaphore(%run_scoped3A : memref<!tpu.dma_semaphore, #tpu.memory_space<semaphore_mem>>) src(%dma_wait3A_25 : memref<79x128xi32, #tpu.memory_space<hbm>>) dst(%arg9 : memref<79x128xi32, #tpu.memory_space<vmem>>)
      tpu.yield
    }) : () -> ()
    %barrier3A = arith.constant 0 : index
    tpu.barrier barrier_id(%barrier3A)
    %scan3A = arith.constant 0 : i32
    %scan3A_3 = arith.constant 79 : i32
    %scan3A_4 = arith.addi %scan3A, %scan3A_3 : i32
    %scan3A_5 = arith.constant 1 : i32
    scf.for %scan3A_12 = %scan3A to %scan3A_4 step %scan3A_5  : i32 {
      %mul3A_13 = arith.constant 1 : i32
      %mul3A_14 = arith.muli %scan3A_12, %mul3A_13 : i32
      %add3A_15 = arith.constant 0 : i32
      %add3A_16 = arith.addi %add3A_15, %mul3A_14 : i32
      "tpu.region"() ({
        %run_scoped3A = tpu.sem_alloc : memref<!tpu.dma_semaphore, #tpu.memory_space<semaphore_mem>>
        %dma_start3A = arith.constant 0 : i32
        %dma_start3A_17 = tpu.memref_slice %arg8[%add3A_16, %dma_start3A] : memref<79x128xi32, #tpu.memory_space<vmem>> -> memref<1x128xi32, #tpu.memory_space<vmem>>
        %dma_start3A_18 = tpu.memref_squeeze %dma_start3A_17 : memref<1x128xi32, #tpu.memory_space<vmem>> -> memref<128xi32, #tpu.memory_space<vmem>>
        %dma_start3A_19 = arith.constant 0 : i32
        %dma_start3A_20 = arith.constant 0 : i32
        %dma_start3A_21 = tpu.memref_slice %arg2[%dma_start3A_19, %dma_start3A_20] : memref<10000x64xf32, #tpu.memory_space<hbm>> -> memref<10000x64xf32, #tpu.memory_space<hbm>>
        tpu.enqueue_indirect_dma source(%dma_start3A_21 : memref<10000x64xf32, #tpu.memory_space<hbm>>) target(%arg10 : memref<128x64xf32, #tpu.memory_space<vmem>>) offsets(%dma_start3A_18 : memref<128xi32, #tpu.memory_space<vmem>>) semaphore(%run_scoped3A : memref<!tpu.dma_semaphore, #tpu.memory_space<semaphore_mem>>)
        %dma_wait3A = arith.constant 0 : i32
        %dma_wait3A_22 = tpu.memref_slice %arg8[%add3A_16, %dma_wait3A] : memref<79x128xi32, #tpu.memory_space<vmem>> -> memref<1x128xi32, #tpu.memory_space<vmem>>
        %dma_wait3A_23 = tpu.memref_squeeze %dma_wait3A_22 : memref<1x128xi32, #tpu.memory_space<vmem>> -> memref<128xi32, #tpu.memory_space<vmem>>
        %dma_wait3A_24 = arith.constant 0 : i32
        %dma_wait3A_25 = arith.constant 0 : i32
        %dma_wait3A_26 = tpu.memref_slice %arg2[%dma_wait3A_24, %dma_wait3A_25] : memref<10000x64xf32, #tpu.memory_space<hbm>> -> memref<10000x64xf32, #tpu.memory_space<hbm>>
        tpu.wait_indirect_dma semaphore(%run_scoped3A : memref<!tpu.dma_semaphore, #tpu.memory_space<semaphore_mem>>) src(%dma_wait3A_26 : memref<10000x64xf32, #tpu.memory_space<hbm>>) dst(%arg10 : memref<128x64xf32, #tpu.memory_space<vmem>>)
        tpu.yield
      }) : () -> ()
      "tpu.region"() ({
        %run_scoped3A = tpu.sem_alloc : memref<!tpu.dma_semaphore, #tpu.memory_space<semaphore_mem>>
        %dma_start3A = arith.constant 0 : i32
        %dma_start3A_17 = tpu.memref_slice %arg9[%add3A_16, %dma_start3A] : memref<79x128xi32, #tpu.memory_space<vmem>> -> memref<1x128xi32, #tpu.memory_space<vmem>>
        %dma_start3A_18 = tpu.memref_squeeze %dma_start3A_17 : memref<1x128xi32, #tpu.memory_space<vmem>> -> memref<128xi32, #tpu.memory_space<vmem>>
        %dma_start3A_19 = arith.constant 0 : i32
        %dma_start3A_20 = arith.constant 0 : i32
        %dma_start3A_21 = tpu.memref_slice %arg7[%dma_start3A_19, %dma_start3A_20] : memref<10112x64xf32, #tpu.memory_space<vmem_shared>> -> memref<10112x64xf32, #tpu.memory_space<vmem_shared>>
        tpu.enqueue_indirect_dma source(%arg10 : memref<128x64xf32, #tpu.memory_space<vmem>>) target(%dma_start3A_21 : memref<10112x64xf32, #tpu.memory_space<vmem_shared>>) offsets(%dma_start3A_18 : memref<128xi32, #tpu.memory_space<vmem>>) semaphore(%run_scoped3A : memref<!tpu.dma_semaphore, #tpu.memory_space<semaphore_mem>>) {add = true}
        %dma_wait3A = arith.constant 0 : i32
        %dma_wait3A_22 = tpu.memref_slice %arg9[%add3A_16, %dma_wait3A] : memref<79x128xi32, #tpu.memory_space<vmem>> -> memref<1x128xi32, #tpu.memory_space<vmem>>
        %dma_wait3A_23 = tpu.memref_squeeze %dma_wait3A_22 : memref<1x128xi32, #tpu.memory_space<vmem>> -> memref<128xi32, #tpu.memory_space<vmem>>
        %dma_wait3A_24 = arith.constant 0 : i32
        %dma_wait3A_25 = arith.constant 0 : i32
        %dma_wait3A_26 = tpu.memref_slice %arg7[%dma_wait3A_24, %dma_wait3A_25] : memref<10112x64xf32, #tpu.memory_space<vmem_shared>> -> memref<10112x64xf32, #tpu.memory_space<vmem_shared>>
        tpu.wait_indirect_dma semaphore(%run_scoped3A : memref<!tpu.dma_semaphore, #tpu.memory_space<semaphore_mem>>) src(%arg10 : memref<128x64xf32, #tpu.memory_space<vmem>>) dst(%dma_wait3A_26 : memref<10112x64xf32, #tpu.memory_space<vmem_shared>>)
        tpu.yield
      }) : () -> ()
    }
    %scan3A_6 = arith.constant 79 : i32
    %barrier3A_7 = arith.constant 0 : index
    tpu.barrier barrier_id(%barrier3A_7)
    %mul3A_8 = arith.constant 632 : i32
    %mul3A_9 = arith.muli %arg1, %mul3A_8 : i32
    %mul3A_10 = arith.constant 632 : i32
    %mul3A_11 = arith.muli %arg1, %mul3A_10 : i32
    "tpu.region"() ({
      %run_scoped3A = tpu.sem_alloc : memref<!tpu.dma_semaphore, #tpu.memory_space<semaphore_mem>>
      %dma_start3A = arith.constant 0 : i32
      %dma_start3A_12 = tpu.memref_slice %arg6[%arg0, %mul3A_11, %dma_start3A] : memref<2x10112x64xf32, #tpu.memory_space<hbm>> -> memref<1x632x64xf32, #tpu.memory_space<hbm>>
      %dma_start3A_13 = tpu.memref_squeeze %dma_start3A_12 : memref<1x632x64xf32, #tpu.memory_space<hbm>> -> memref<632x64xf32, #tpu.memory_space<hbm>>
      %dma_start3A_14 = arith.constant 0 : i32
      %dma_start3A_15 = tpu.memref_slice %arg7[%mul3A_9, %dma_start3A_14] : memref<10112x64xf32, #tpu.memory_space<vmem_shared>> -> memref<632x64xf32, #tpu.memory_space<vmem_shared>>
      tpu.enqueue_dma source(%dma_start3A_15 : memref<632x64xf32, #tpu.memory_space<vmem_shared>>) target(%dma_start3A_13 : memref<632x64xf32, #tpu.memory_space<hbm>>) target_semaphore(%run_scoped3A : memref<!tpu.dma_semaphore, #tpu.memory_space<semaphore_mem>>)
      %dma_wait3A = arith.constant 0 : i32
      %dma_wait3A_16 = tpu.memref_slice %arg6[%arg0, %mul3A_11, %dma_wait3A] : memref<2x10112x64xf32, #tpu.memory_space<hbm>> -> memref<1x632x64xf32, #tpu.memory_space<hbm>>
      %dma_wait3A_17 = tpu.memref_squeeze %dma_wait3A_16 : memref<1x632x64xf32, #tpu.memory_space<hbm>> -> memref<632x64xf32, #tpu.memory_space<hbm>>
      %dma_wait3A_18 = arith.constant 0 : i32
      %dma_wait3A_19 = tpu.memref_slice %arg7[%mul3A_9, %dma_wait3A_18] : memref<10112x64xf32, #tpu.memory_space<vmem_shared>> -> memref<632x64xf32, #tpu.memory_space<vmem_shared>>
      tpu.wait_dma2 semaphore(%run_scoped3A : memref<!tpu.dma_semaphore, #tpu.memory_space<semaphore_mem>>) src(%dma_wait3A_19 : memref<632x64xf32, #tpu.memory_space<vmem_shared>>) dst(%dma_wait3A_17 : memref<632x64xf32, #tpu.memory_space<hbm>>)
      tpu.yield
    }) : () -> ()
    return
  }
}

#map = affine_map<(d0, d1) -> (0, 0)>
#map1 = affine_map<(d0, d1) -> (0, 0, 0)>
module attributes {stable_mosaic.version = 14 : i64} {
  func.func @k(%arg0: i32, %arg1: i32, %arg2: memref<10000x64xf32, #tpu.memory_space<hbm>>, %arg3: memref<32x79x128xi32, #tpu.memory_space<hbm>>, %arg4: memref<32x79x128xi32, #tpu.memory_space<hbm>>, %arg5: memref<632x64xf32, #tpu.memory_space<hbm>>, %arg6: memref<2x10112x64xf32, #tpu.memory_space<hbm>>, %arg7: memref<10112x64xf32, #tpu.memory_space<vmem_shared>>, %arg8: memref<79x128xi32, #tpu.memory_space<vmem>>, %arg9: memref<79x128xi32, #tpu.memory_space<vmem>>, %arg10: memref<128x64xf32, #tpu.memory_space<vmem>>) attributes {dimension_semantics = [#tpu.dimension_semantics<core_parallel>, #tpu.dimension_semantics<subcore_parallel>], iteration_bounds = array<i64: 2, 16>, scalar_prefetch = 0 : i64, scratch_operands = 4 : i64, tpu.core_type = #tpu.core_type<sc_vector_subcore>, window_params = [{transform_indices = #map}, {transform_indices = #map1}, {transform_indices = #map1}, {transform_indices = #map}, {transform_indices = #map1}]} {
    %mul3A = arith.constant 2 : i32
    %mul3A_0 = arith.muli %arg1, %mul3A : i32
    %add3A = arith.addi %mul3A_0, %arg0 : i32
    %mul3A_1 = arith.constant 632 : i32
    %mul3A_2 = arith.muli %arg1, %mul3A_1 : i32
    "tpu.region"() ({
      %run_scoped3A = tpu.sem_alloc : memref<!tpu.dma_semaphore, #tpu.memory_space<semaphore_mem>>
      %dma_start3A = arith.constant 0 : i32
      %dma_start3A_12 = tpu.memref_slice %arg7[%mul3A_2, %dma_start3A] : memref<10112x64xf32, #tpu.memory_space<vmem_shared>> -> memref<632x64xf32, #tpu.memory_space<vmem_shared>>
      %dma_start3A_13 = arith.constant 0 : i32
      %dma_start3A_14 = arith.constant 0 : i32
      %dma_start3A_15 = tpu.memref_slice %arg5[%dma_start3A_13, %dma_start3A_14] : memref<632x64xf32, #tpu.memory_space<hbm>> -> memref<632x64xf32, #tpu.memory_space<hbm>>
      tpu.enqueue_dma source(%dma_start3A_15 : memref<632x64xf32, #tpu.memory_space<hbm>>) target(%dma_start3A_12 : memref<632x64xf32, #tpu.memory_space<vmem_shared>>) target_semaphore(%run_scoped3A : memref<!tpu.dma_semaphore, #tpu.memory_space<semaphore_mem>>)
      %dma_wait3A = arith.constant 0 : i32
      %dma_wait3A_16 = tpu.memref_slice %arg7[%mul3A_2, %dma_wait3A] : memref<10112x64xf32, #tpu.memory_space<vmem_shared>> -> memref<632x64xf32, #tpu.memory_space<vmem_shared>>
      %dma_wait3A_17 = arith.constant 0 : i32
      %dma_wait3A_18 = arith.constant 0 : i32
      %dma_wait3A_19 = tpu.memref_slice %arg5[%dma_wait3A_17, %dma_wait3A_18] : memref<632x64xf32, #tpu.memory_space<hbm>> -> memref<632x64xf32, #tpu.memory_space<hbm>>
      tpu.wait_dma2 semaphore(%run_scoped3A : memref<!tpu.dma_semaphore, #tpu.memory_space<semaphore_mem>>) src(%dma_wait3A_19 : memref<632x64xf32, #tpu.memory_space<hbm>>) dst(%dma_wait3A_16 : memref<632x64xf32, #tpu.memory_space<vmem_shared>>)
      tpu.yield
    }) : () -> ()
    "tpu.region"() ({
      %run_scoped3A = tpu.sem_alloc : memref<!tpu.dma_semaphore, #tpu.memory_space<semaphore_mem>>
      %dma_start3A = arith.constant 0 : i32
      %dma_start3A_12 = arith.constant 0 : i32
      %dma_start3A_13 = tpu.memref_slice %arg3[%add3A, %dma_start3A, %dma_start3A_12] : memref<32x79x128xi32, #tpu.memory_space<hbm>> -> memref<1x79x128xi32, #tpu.memory_space<hbm>>
      %dma_start3A_14 = tpu.memref_squeeze %dma_start3A_13 : memref<1x79x128xi32, #tpu.memory_space<hbm>> -> memref<79x128xi32, #tpu.memory_space<hbm>>
      %dma_start3A_15 = arith.constant 0 : i32
      %dma_start3A_16 = arith.constant 0 : i32
      %dma_start3A_17 = tpu.memref_slice %arg3[%add3A, %dma_start3A_15, %dma_start3A_16] : memref<32x79x128xi32, #tpu.memory_space<hbm>> -> memref<1x79x128xi32, #tpu.memory_space<hbm>>
      %dma_start3A_18 = tpu.memref_squeeze %dma_start3A_17 : memref<1x79x128xi32, #tpu.memory_space<hbm>> -> memref<79x128xi32, #tpu.memory_space<hbm>>
      tpu.enqueue_dma source(%dma_start3A_18 : memref<79x128xi32, #tpu.memory_space<hbm>>) target(%arg8 : memref<79x128xi32, #tpu.memory_space<vmem>>) target_semaphore(%run_scoped3A : memref<!tpu.dma_semaphore, #tpu.memory_space<semaphore_mem>>)
      %dma_wait3A = arith.constant 0 : i32
      %dma_wait3A_19 = arith.constant 0 : i32
      %dma_wait3A_20 = tpu.memref_slice %arg3[%add3A, %dma_wait3A, %dma_wait3A_19] : memref<32x79x128xi32, #tpu.memory_space<hbm>> -> memref<1x79x128xi32, #tpu.memory_space<hbm>>
      %dma_wait3A_21 = tpu.memref_squeeze %dma_wait3A_20 : memref<1x79x128xi32, #tpu.memory_space<hbm>> -> memref<79x128xi32, #tpu.memory_space<hbm>>
      %dma_wait3A_22 = arith.constant 0 : i32
      %dma_wait3A_23 = arith.constant 0 : i32
      %dma_wait3A_24 = tpu.memref_slice %arg3[%add3A, %dma_wait3A_22, %dma_wait3A_23] : memref<32x79x128xi32, #tpu.memory_space<hbm>> -> memref<1x79x128xi32, #tpu.memory_space<hbm>>
      %dma_wait3A_25 = tpu.memref_squeeze %dma_wait3A_24 : memref<1x79x128xi32, #tpu.memory_space<hbm>> -> memref<79x128xi32, #tpu.memory_space<hbm>>
      tpu.wait_dma2 semaphore(%run_scoped3A : memref<!tpu.dma_semaphore, #tpu.memory_space<semaphore_mem>>) src(%dma_wait3A_25 : memref<79x128xi32, #tpu.memory_space<hbm>>) dst(%arg8 : memref<79x128xi32, #tpu.memory_space<vmem>>)
      tpu.yield
    }) : () -> ()
    "tpu.region"() ({
      %run_scoped3A = tpu.sem_alloc : memref<!tpu.dma_semaphore, #tpu.memory_space<semaphore_mem>>
      %dma_start3A = arith.constant 0 : i32
      %dma_start3A_12 = arith.constant 0 : i32
      %dma_start3A_13 = tpu.memref_slice %arg4[%add3A, %dma_start3A, %dma_start3A_12] : memref<32x79x128xi32, #tpu.memory_space<hbm>> -> memref<1x79x128xi32, #tpu.memory_space<hbm>>
      %dma_start3A_14 = tpu.memref_squeeze %dma_start3A_13 : memref<1x79x128xi32, #tpu.memory_space<hbm>> -> memref<79x128xi32, #tpu.memory_space<hbm>>
      %dma_start3A_15 = arith.constant 0 : i32
      %dma_start3A_16 = arith.constant 0 : i32
      %dma_start3A_17 = tpu.memref_slice %arg4[%add3A, %dma_start3A_15, %dma_start3A_16] : memref<32x79x128xi32, #tpu.memory_space<hbm>> -> memref<1x79x128xi32, #tpu.memory_space<hbm>>
      %dma_start3A_18 = tpu.memref_squeeze %dma_start3A_17 : memref<1x79x128xi32, #tpu.memory_space<hbm>> -> memref<79x128xi32, #tpu.memory_space<hbm>>
      tpu.enqueue_dma source(%dma_start3A_18 : memref<79x128xi32, #tpu.memory_space<hbm>>) target(%arg9 : memref<79x128xi32, #tpu.memory_space<vmem>>) target_semaphore(%run_scoped3A : memref<!tpu.dma_semaphore, #tpu.memory_space<semaphore_mem>>)
      %dma_wait3A = arith.constant 0 : i32
      %dma_wait3A_19 = arith.constant 0 : i32
      %dma_wait3A_20 = tpu.memref_slice %arg4[%add3A, %dma_wait3A, %dma_wait3A_19] : memref<32x79x128xi32, #tpu.memory_space<hbm>> -> memref<1x79x128xi32, #tpu.memory_space<hbm>>
      %dma_wait3A_21 = tpu.memref_squeeze %dma_wait3A_20 : memref<1x79x128xi32, #tpu.memory_space<hbm>> -> memref<79x128xi32, #tpu.memory_space<hbm>>
      %dma_wait3A_22 = arith.constant 0 : i32
      %dma_wait3A_23 = arith.constant 0 : i32
      %dma_wait3A_24 = tpu.memref_slice %arg4[%add3A, %dma_wait3A_22, %dma_wait3A_23] : memref<32x79x128xi32, #tpu.memory_space<hbm>> -> memref<1x79x128xi32, #tpu.memory_space<hbm>>
      %dma_wait3A_25 = tpu.memref_squeeze %dma_wait3A_24 : memref<1x79x128xi32, #tpu.memory_space<hbm>> -> memref<79x128xi32, #tpu.memory_space<hbm>>
      tpu.wait_dma2 semaphore(%run_scoped3A : memref<!tpu.dma_semaphore, #tpu.memory_space<semaphore_mem>>) src(%dma_wait3A_25 : memref<79x128xi32, #tpu.memory_space<hbm>>) dst(%arg9 : memref<79x128xi32, #tpu.memory_space<vmem>>)
      tpu.yield
    }) : () -> ()
    %barrier3A = arith.constant 0 : index
    tpu.barrier barrier_id(%barrier3A)
    %scan3A = arith.constant 0 : i32
    %scan3A_3 = arith.constant 79 : i32
    %scan3A_4 = arith.addi %scan3A, %scan3A_3 : i32
    %scan3A_5 = arith.constant 1 : i32
    scf.for %scan3A_12 = %scan3A to %scan3A_4 step %scan3A_5  : i32 {
      %mul3A_13 = arith.constant 1 : i32
      %mul3A_14 = arith.muli %scan3A_12, %mul3A_13 : i32
      %add3A_15 = arith.constant 0 : i32
      %add3A_16 = arith.addi %add3A_15, %mul3A_14 : i32
      "tpu.region"() ({
        %run_scoped3A = tpu.sem_alloc : memref<!tpu.dma_semaphore, #tpu.memory_space<semaphore_mem>>
        %dma_start3A = arith.constant 0 : i32
        %dma_start3A_17 = tpu.memref_slice %arg8[%add3A_16, %dma_start3A] : memref<79x128xi32, #tpu.memory_space<vmem>> -> memref<1x128xi32, #tpu.memory_space<vmem>>
        %dma_start3A_18 = tpu.memref_squeeze %dma_start3A_17 : memref<1x128xi32, #tpu.memory_space<vmem>> -> memref<128xi32, #tpu.memory_space<vmem>>
        %dma_start3A_19 = arith.constant 0 : i32
        %dma_start3A_20 = arith.constant 0 : i32
        %dma_start3A_21 = tpu.memref_slice %arg2[%dma_start3A_19, %dma_start3A_20] : memref<10000x64xf32, #tpu.memory_space<hbm>> -> memref<10000x64xf32, #tpu.memory_space<hbm>>
        tpu.enqueue_indirect_dma source(%dma_start3A_21 : memref<10000x64xf32, #tpu.memory_space<hbm>>) target(%arg10 : memref<128x64xf32, #tpu.memory_space<vmem>>) offsets(%dma_start3A_18 : memref<128xi32, #tpu.memory_space<vmem>>) semaphore(%run_scoped3A : memref<!tpu.dma_semaphore, #tpu.memory_space<semaphore_mem>>)
        %dma_wait3A = arith.constant 0 : i32
        %dma_wait3A_22 = tpu.memref_slice %arg8[%add3A_16, %dma_wait3A] : memref<79x128xi32, #tpu.memory_space<vmem>> -> memref<1x128xi32, #tpu.memory_space<vmem>>
        %dma_wait3A_23 = tpu.memref_squeeze %dma_wait3A_22 : memref<1x128xi32, #tpu.memory_space<vmem>> -> memref<128xi32, #tpu.memory_space<vmem>>
        %dma_wait3A_24 = arith.constant 0 : i32
        %dma_wait3A_25 = arith.constant 0 : i32
        %dma_wait3A_26 = tpu.memref_slice %arg2[%dma_wait3A_24, %dma_wait3A_25] : memref<10000x64xf32, #tpu.memory_space<hbm>> -> memref<10000x64xf32, #tpu.memory_space<hbm>>
        tpu.wait_indirect_dma semaphore(%run_scoped3A : memref<!tpu.dma_semaphore, #tpu.memory_space<semaphore_mem>>) src(%dma_wait3A_26 : memref<10000x64xf32, #tpu.memory_space<hbm>>) dst(%arg10 : memref<128x64xf32, #tpu.memory_space<vmem>>)
        tpu.yield
      }) : () -> ()
      "tpu.region"() ({
        %run_scoped3A = tpu.sem_alloc : memref<!tpu.dma_semaphore, #tpu.memory_space<semaphore_mem>>
        %dma_start3A = arith.constant 0 : i32
        %dma_start3A_17 = tpu.memref_slice %arg9[%add3A_16, %dma_start3A] : memref<79x128xi32, #tpu.memory_space<vmem>> -> memref<1x128xi32, #tpu.memory_space<vmem>>
        %dma_start3A_18 = tpu.memref_squeeze %dma_start3A_17 : memref<1x128xi32, #tpu.memory_space<vmem>> -> memref<128xi32, #tpu.memory_space<vmem>>
        %dma_start3A_19 = arith.constant 0 : i32
        %dma_start3A_20 = arith.constant 0 : i32
        %dma_start3A_21 = tpu.memref_slice %arg7[%dma_start3A_19, %dma_start3A_20] : memref<10112x64xf32, #tpu.memory_space<vmem_shared>> -> memref<10112x64xf32, #tpu.memory_space<vmem_shared>>
        tpu.enqueue_indirect_dma source(%arg10 : memref<128x64xf32, #tpu.memory_space<vmem>>) target(%dma_start3A_21 : memref<10112x64xf32, #tpu.memory_space<vmem_shared>>) offsets(%dma_start3A_18 : memref<128xi32, #tpu.memory_space<vmem>>) semaphore(%run_scoped3A : memref<!tpu.dma_semaphore, #tpu.memory_space<semaphore_mem>>) {add = true}
        %dma_wait3A = arith.constant 0 : i32
        %dma_wait3A_22 = tpu.memref_slice %arg9[%add3A_16, %dma_wait3A] : memref<79x128xi32, #tpu.memory_space<vmem>> -> memref<1x128xi32, #tpu.memory_space<vmem>>
        %dma_wait3A_23 = tpu.memref_squeeze %dma_wait3A_22 : memref<1x128xi32, #tpu.memory_space<vmem>> -> memref<128xi32, #tpu.memory_space<vmem>>
        %dma_wait3A_24 = arith.constant 0 : i32
        %dma_wait3A_25 = arith.constant 0 : i32
        %dma_wait3A_26 = tpu.memref_slice %arg7[%dma_wait3A_24, %dma_wait3A_25] : memref<10112x64xf32, #tpu.memory_space<vmem_shared>> -> memref<10112x64xf32, #tpu.memory_space<vmem_shared>>
        tpu.wait_indirect_dma semaphore(%run_scoped3A : memref<!tpu.dma_semaphore, #tpu.memory_space<semaphore_mem>>) src(%arg10 : memref<128x64xf32, #tpu.memory_space<vmem>>) dst(%dma_wait3A_26 : memref<10112x64xf32, #tpu.memory_space<vmem_shared>>)
        tpu.yield
      }) : () -> ()
    }
    %scan3A_6 = arith.constant 79 : i32
    %barrier3A_7 = arith.constant 0 : index
    tpu.barrier barrier_id(%barrier3A_7)
    %mul3A_8 = arith.constant 632 : i32
    %mul3A_9 = arith.muli %arg1, %mul3A_8 : i32
    %mul3A_10 = arith.constant 632 : i32
    %mul3A_11 = arith.muli %arg1, %mul3A_10 : i32
    "tpu.region"() ({
      %run_scoped3A = tpu.sem_alloc : memref<!tpu.dma_semaphore, #tpu.memory_space<semaphore_mem>>
      %dma_start3A = arith.constant 0 : i32
      %dma_start3A_12 = tpu.memref_slice %arg6[%arg0, %mul3A_11, %dma_start3A] : memref<2x10112x64xf32, #tpu.memory_space<hbm>> -> memref<1x632x64xf32, #tpu.memory_space<hbm>>
      %dma_start3A_13 = tpu.memref_squeeze %dma_start3A_12 : memref<1x632x64xf32, #tpu.memory_space<hbm>> -> memref<632x64xf32, #tpu.memory_space<hbm>>
      %dma_start3A_14 = arith.constant 0 : i32
      %dma_start3A_15 = tpu.memref_slice %arg7[%mul3A_9, %dma_start3A_14] : memref<10112x64xf32, #tpu.memory_space<vmem_shared>> -> memref<632x64xf32, #tpu.memory_space<vmem_shared>>
      tpu.enqueue_dma source(%dma_start3A_15 : memref<632x64xf32, #tpu.memory_space<vmem_shared>>) target(%dma_start3A_13 : memref<632x64xf32, #tpu.memory_space<hbm>>) target_semaphore(%run_scoped3A : memref<!tpu.dma_semaphore, #tpu.memory_space<semaphore_mem>>)
      %dma_wait3A = arith.constant 0 : i32
      %dma_wait3A_16 = tpu.memref_slice %arg6[%arg0, %mul3A_11, %dma_wait3A] : memref<2x10112x64xf32, #tpu.memory_space<hbm>> -> memref<1x632x64xf32, #tpu.memory_space<hbm>>
      %dma_wait3A_17 = tpu.memref_squeeze %dma_wait3A_16 : memref<1x632x64xf32, #tpu.memory_space<hbm>> -> memref<632x64xf32, #tpu.memory_space<hbm>>
      %dma_wait3A_18 = arith.constant 0 : i32
      %dma_wait3A_19 = tpu.memref_slice %arg7[%mul3A_9, %dma_wait3A_18] : memref<10112x64xf32, #tpu.memory_space<vmem_shared>> -> memref<632x64xf32, #tpu.memory_space<vmem_shared>>
      tpu.wait_dma2 semaphore(%run_scoped3A : memref<!tpu.dma_semaphore, #tpu.memory_space<semaphore_mem>>) src(%dma_wait3A_19 : memref<632x64xf32, #tpu.memory_space<vmem_shared>>) dst(%dma_wait3A_17 : memref<632x64xf32, #tpu.memory_space<hbm>>)
      tpu.yield
    }) : () -> ()
    return
  }
}

#map = affine_map<(d0, d1) -> (0, 0)>
#map1 = affine_map<(d0, d1) -> (0, 0, 0)>
module attributes {stable_mosaic.version = 14 : i64} {
  func.func @k(%arg0: i32, %arg1: i32, %arg2: memref<10000x64xf32, #tpu.memory_space<hbm>>, %arg3: memref<32x79x128xi32, #tpu.memory_space<hbm>>, %arg4: memref<32x79x128xi32, #tpu.memory_space<hbm>>, %arg5: memref<632x64xf32, #tpu.memory_space<hbm>>, %arg6: memref<2x10112x64xf32, #tpu.memory_space<hbm>>, %arg7: memref<10112x64xf32, #tpu.memory_space<vmem_shared>>, %arg8: memref<79x128xi32, #tpu.memory_space<vmem>>, %arg9: memref<79x128xi32, #tpu.memory_space<vmem>>, %arg10: memref<128x64xf32, #tpu.memory_space<vmem>>) attributes {dimension_semantics = [#tpu.dimension_semantics<core_parallel>, #tpu.dimension_semantics<subcore_parallel>], iteration_bounds = array<i64: 2, 16>, scalar_prefetch = 0 : i64, scratch_operands = 4 : i64, tpu.core_type = #tpu.core_type<sc_vector_subcore>, window_params = [{transform_indices = #map}, {transform_indices = #map1}, {transform_indices = #map1}, {transform_indices = #map}, {transform_indices = #map1}]} {
    %mul3A = arith.constant 2 : i32
    %mul3A_0 = arith.muli %arg1, %mul3A : i32
    %add3A = arith.addi %mul3A_0, %arg0 : i32
    %mul3A_1 = arith.constant 632 : i32
    %mul3A_2 = arith.muli %arg1, %mul3A_1 : i32
    "tpu.region"() ({
      %run_scoped3A = tpu.sem_alloc : memref<!tpu.dma_semaphore, #tpu.memory_space<semaphore_mem>>
      %dma_start3A = arith.constant 0 : i32
      %dma_start3A_12 = tpu.memref_slice %arg7[%mul3A_2, %dma_start3A] : memref<10112x64xf32, #tpu.memory_space<vmem_shared>> -> memref<632x64xf32, #tpu.memory_space<vmem_shared>>
      %dma_start3A_13 = arith.constant 0 : i32
      %dma_start3A_14 = arith.constant 0 : i32
      %dma_start3A_15 = tpu.memref_slice %arg5[%dma_start3A_13, %dma_start3A_14] : memref<632x64xf32, #tpu.memory_space<hbm>> -> memref<632x64xf32, #tpu.memory_space<hbm>>
      tpu.enqueue_dma source(%dma_start3A_15 : memref<632x64xf32, #tpu.memory_space<hbm>>) target(%dma_start3A_12 : memref<632x64xf32, #tpu.memory_space<vmem_shared>>) target_semaphore(%run_scoped3A : memref<!tpu.dma_semaphore, #tpu.memory_space<semaphore_mem>>)
      %dma_wait3A = arith.constant 0 : i32
      %dma_wait3A_16 = tpu.memref_slice %arg7[%mul3A_2, %dma_wait3A] : memref<10112x64xf32, #tpu.memory_space<vmem_shared>> -> memref<632x64xf32, #tpu.memory_space<vmem_shared>>
      %dma_wait3A_17 = arith.constant 0 : i32
      %dma_wait3A_18 = arith.constant 0 : i32
      %dma_wait3A_19 = tpu.memref_slice %arg5[%dma_wait3A_17, %dma_wait3A_18] : memref<632x64xf32, #tpu.memory_space<hbm>> -> memref<632x64xf32, #tpu.memory_space<hbm>>
      tpu.wait_dma2 semaphore(%run_scoped3A : memref<!tpu.dma_semaphore, #tpu.memory_space<semaphore_mem>>) src(%dma_wait3A_19 : memref<632x64xf32, #tpu.memory_space<hbm>>) dst(%dma_wait3A_16 : memref<632x64xf32, #tpu.memory_space<vmem_shared>>)
      tpu.yield
    }) : () -> ()
    "tpu.region"() ({
      %run_scoped3A = tpu.sem_alloc : memref<!tpu.dma_semaphore, #tpu.memory_space<semaphore_mem>>
      %dma_start3A = arith.constant 0 : i32
      %dma_start3A_12 = arith.constant 0 : i32
      %dma_start3A_13 = tpu.memref_slice %arg3[%add3A, %dma_start3A, %dma_start3A_12] : memref<32x79x128xi32, #tpu.memory_space<hbm>> -> memref<1x79x128xi32, #tpu.memory_space<hbm>>
      %dma_start3A_14 = tpu.memref_squeeze %dma_start3A_13 : memref<1x79x128xi32, #tpu.memory_space<hbm>> -> memref<79x128xi32, #tpu.memory_space<hbm>>
      %dma_start3A_15 = arith.constant 0 : i32
      %dma_start3A_16 = arith.constant 0 : i32
      %dma_start3A_17 = tpu.memref_slice %arg3[%add3A, %dma_start3A_15, %dma_start3A_16] : memref<32x79x128xi32, #tpu.memory_space<hbm>> -> memref<1x79x128xi32, #tpu.memory_space<hbm>>
      %dma_start3A_18 = tpu.memref_squeeze %dma_start3A_17 : memref<1x79x128xi32, #tpu.memory_space<hbm>> -> memref<79x128xi32, #tpu.memory_space<hbm>>
      tpu.enqueue_dma source(%dma_start3A_18 : memref<79x128xi32, #tpu.memory_space<hbm>>) target(%arg8 : memref<79x128xi32, #tpu.memory_space<vmem>>) target_semaphore(%run_scoped3A : memref<!tpu.dma_semaphore, #tpu.memory_space<semaphore_mem>>)
      %dma_wait3A = arith.constant 0 : i32
      %dma_wait3A_19 = arith.constant 0 : i32
      %dma_wait3A_20 = tpu.memref_slice %arg3[%add3A, %dma_wait3A, %dma_wait3A_19] : memref<32x79x128xi32, #tpu.memory_space<hbm>> -> memref<1x79x128xi32, #tpu.memory_space<hbm>>
      %dma_wait3A_21 = tpu.memref_squeeze %dma_wait3A_20 : memref<1x79x128xi32, #tpu.memory_space<hbm>> -> memref<79x128xi32, #tpu.memory_space<hbm>>
      %dma_wait3A_22 = arith.constant 0 : i32
      %dma_wait3A_23 = arith.constant 0 : i32
      %dma_wait3A_24 = tpu.memref_slice %arg3[%add3A, %dma_wait3A_22, %dma_wait3A_23] : memref<32x79x128xi32, #tpu.memory_space<hbm>> -> memref<1x79x128xi32, #tpu.memory_space<hbm>>
      %dma_wait3A_25 = tpu.memref_squeeze %dma_wait3A_24 : memref<1x79x128xi32, #tpu.memory_space<hbm>> -> memref<79x128xi32, #tpu.memory_space<hbm>>
      tpu.wait_dma2 semaphore(%run_scoped3A : memref<!tpu.dma_semaphore, #tpu.memory_space<semaphore_mem>>) src(%dma_wait3A_25 : memref<79x128xi32, #tpu.memory_space<hbm>>) dst(%arg8 : memref<79x128xi32, #tpu.memory_space<vmem>>)
      tpu.yield
    }) : () -> ()
    "tpu.region"() ({
      %run_scoped3A = tpu.sem_alloc : memref<!tpu.dma_semaphore, #tpu.memory_space<semaphore_mem>>
      %dma_start3A = arith.constant 0 : i32
      %dma_start3A_12 = arith.constant 0 : i32
      %dma_start3A_13 = tpu.memref_slice %arg4[%add3A, %dma_start3A, %dma_start3A_12] : memref<32x79x128xi32, #tpu.memory_space<hbm>> -> memref<1x79x128xi32, #tpu.memory_space<hbm>>
      %dma_start3A_14 = tpu.memref_squeeze %dma_start3A_13 : memref<1x79x128xi32, #tpu.memory_space<hbm>> -> memref<79x128xi32, #tpu.memory_space<hbm>>
      %dma_start3A_15 = arith.constant 0 : i32
      %dma_start3A_16 = arith.constant 0 : i32
      %dma_start3A_17 = tpu.memref_slice %arg4[%add3A, %dma_start3A_15, %dma_start3A_16] : memref<32x79x128xi32, #tpu.memory_space<hbm>> -> memref<1x79x128xi32, #tpu.memory_space<hbm>>
      %dma_start3A_18 = tpu.memref_squeeze %dma_start3A_17 : memref<1x79x128xi32, #tpu.memory_space<hbm>> -> memref<79x128xi32, #tpu.memory_space<hbm>>
      tpu.enqueue_dma source(%dma_start3A_18 : memref<79x128xi32, #tpu.memory_space<hbm>>) target(%arg9 : memref<79x128xi32, #tpu.memory_space<vmem>>) target_semaphore(%run_scoped3A : memref<!tpu.dma_semaphore, #tpu.memory_space<semaphore_mem>>)
      %dma_wait3A = arith.constant 0 : i32
      %dma_wait3A_19 = arith.constant 0 : i32
      %dma_wait3A_20 = tpu.memref_slice %arg4[%add3A, %dma_wait3A, %dma_wait3A_19] : memref<32x79x128xi32, #tpu.memory_space<hbm>> -> memref<1x79x128xi32, #tpu.memory_space<hbm>>
      %dma_wait3A_21 = tpu.memref_squeeze %dma_wait3A_20 : memref<1x79x128xi32, #tpu.memory_space<hbm>> -> memref<79x128xi32, #tpu.memory_space<hbm>>
      %dma_wait3A_22 = arith.constant 0 : i32
      %dma_wait3A_23 = arith.constant 0 : i32
      %dma_wait3A_24 = tpu.memref_slice %arg4[%add3A, %dma_wait3A_22, %dma_wait3A_23] : memref<32x79x128xi32, #tpu.memory_space<hbm>> -> memref<1x79x128xi32, #tpu.memory_space<hbm>>
      %dma_wait3A_25 = tpu.memref_squeeze %dma_wait3A_24 : memref<1x79x128xi32, #tpu.memory_space<hbm>> -> memref<79x128xi32, #tpu.memory_space<hbm>>
      tpu.wait_dma2 semaphore(%run_scoped3A : memref<!tpu.dma_semaphore, #tpu.memory_space<semaphore_mem>>) src(%dma_wait3A_25 : memref<79x128xi32, #tpu.memory_space<hbm>>) dst(%arg9 : memref<79x128xi32, #tpu.memory_space<vmem>>)
      tpu.yield
    }) : () -> ()
    %barrier3A = arith.constant 0 : index
    tpu.barrier barrier_id(%barrier3A)
    %scan3A = arith.constant 0 : i32
    %scan3A_3 = arith.constant 79 : i32
    %scan3A_4 = arith.addi %scan3A, %scan3A_3 : i32
    %scan3A_5 = arith.constant 1 : i32
    scf.for %scan3A_12 = %scan3A to %scan3A_4 step %scan3A_5  : i32 {
      %mul3A_13 = arith.constant 1 : i32
      %mul3A_14 = arith.muli %scan3A_12, %mul3A_13 : i32
      %add3A_15 = arith.constant 0 : i32
      %add3A_16 = arith.addi %add3A_15, %mul3A_14 : i32
      "tpu.region"() ({
        %run_scoped3A = tpu.sem_alloc : memref<!tpu.dma_semaphore, #tpu.memory_space<semaphore_mem>>
        %dma_start3A = arith.constant 0 : i32
        %dma_start3A_17 = tpu.memref_slice %arg8[%add3A_16, %dma_start3A] : memref<79x128xi32, #tpu.memory_space<vmem>> -> memref<1x128xi32, #tpu.memory_space<vmem>>
        %dma_start3A_18 = tpu.memref_squeeze %dma_start3A_17 : memref<1x128xi32, #tpu.memory_space<vmem>> -> memref<128xi32, #tpu.memory_space<vmem>>
        %dma_start3A_19 = arith.constant 0 : i32
        %dma_start3A_20 = arith.constant 0 : i32
        %dma_start3A_21 = tpu.memref_slice %arg2[%dma_start3A_19, %dma_start3A_20] : memref<10000x64xf32, #tpu.memory_space<hbm>> -> memref<10000x64xf32, #tpu.memory_space<hbm>>
        tpu.enqueue_indirect_dma source(%dma_start3A_21 : memref<10000x64xf32, #tpu.memory_space<hbm>>) target(%arg10 : memref<128x64xf32, #tpu.memory_space<vmem>>) offsets(%dma_start3A_18 : memref<128xi32, #tpu.memory_space<vmem>>) semaphore(%run_scoped3A : memref<!tpu.dma_semaphore, #tpu.memory_space<semaphore_mem>>)
        %dma_wait3A = arith.constant 0 : i32
        %dma_wait3A_22 = tpu.memref_slice %arg8[%add3A_16, %dma_wait3A] : memref<79x128xi32, #tpu.memory_space<vmem>> -> memref<1x128xi32, #tpu.memory_space<vmem>>
        %dma_wait3A_23 = tpu.memref_squeeze %dma_wait3A_22 : memref<1x128xi32, #tpu.memory_space<vmem>> -> memref<128xi32, #tpu.memory_space<vmem>>
        %dma_wait3A_24 = arith.constant 0 : i32
        %dma_wait3A_25 = arith.constant 0 : i32
        %dma_wait3A_26 = tpu.memref_slice %arg2[%dma_wait3A_24, %dma_wait3A_25] : memref<10000x64xf32, #tpu.memory_space<hbm>> -> memref<10000x64xf32, #tpu.memory_space<hbm>>
        tpu.wait_indirect_dma semaphore(%run_scoped3A : memref<!tpu.dma_semaphore, #tpu.memory_space<semaphore_mem>>) src(%dma_wait3A_26 : memref<10000x64xf32, #tpu.memory_space<hbm>>) dst(%arg10 : memref<128x64xf32, #tpu.memory_space<vmem>>)
        tpu.yield
      }) : () -> ()
      "tpu.region"() ({
        %run_scoped3A = tpu.sem_alloc : memref<!tpu.dma_semaphore, #tpu.memory_space<semaphore_mem>>
        %dma_start3A = arith.constant 0 : i32
        %dma_start3A_17 = tpu.memref_slice %arg9[%add3A_16, %dma_start3A] : memref<79x128xi32, #tpu.memory_space<vmem>> -> memref<1x128xi32, #tpu.memory_space<vmem>>
        %dma_start3A_18 = tpu.memref_squeeze %dma_start3A_17 : memref<1x128xi32, #tpu.memory_space<vmem>> -> memref<128xi32, #tpu.memory_space<vmem>>
        %dma_start3A_19 = arith.constant 0 : i32
        %dma_start3A_20 = arith.constant 0 : i32
        %dma_start3A_21 = tpu.memref_slice %arg7[%dma_start3A_19, %dma_start3A_20] : memref<10112x64xf32, #tpu.memory_space<vmem_shared>> -> memref<10112x64xf32, #tpu.memory_space<vmem_shared>>
        tpu.enqueue_indirect_dma source(%arg10 : memref<128x64xf32, #tpu.memory_space<vmem>>) target(%dma_start3A_21 : memref<10112x64xf32, #tpu.memory_space<vmem_shared>>) offsets(%dma_start3A_18 : memref<128xi32, #tpu.memory_space<vmem>>) semaphore(%run_scoped3A : memref<!tpu.dma_semaphore, #tpu.memory_space<semaphore_mem>>) {add = true}
        %dma_wait3A = arith.constant 0 : i32
        %dma_wait3A_22 = tpu.memref_slice %arg9[%add3A_16, %dma_wait3A] : memref<79x128xi32, #tpu.memory_space<vmem>> -> memref<1x128xi32, #tpu.memory_space<vmem>>
        %dma_wait3A_23 = tpu.memref_squeeze %dma_wait3A_22 : memref<1x128xi32, #tpu.memory_space<vmem>> -> memref<128xi32, #tpu.memory_space<vmem>>
        %dma_wait3A_24 = arith.constant 0 : i32
        %dma_wait3A_25 = arith.constant 0 : i32
        %dma_wait3A_26 = tpu.memref_slice %arg7[%dma_wait3A_24, %dma_wait3A_25] : memref<10112x64xf32, #tpu.memory_space<vmem_shared>> -> memref<10112x64xf32, #tpu.memory_space<vmem_shared>>
        tpu.wait_indirect_dma semaphore(%run_scoped3A : memref<!tpu.dma_semaphore, #tpu.memory_space<semaphore_mem>>) src(%arg10 : memref<128x64xf32, #tpu.memory_space<vmem>>) dst(%dma_wait3A_26 : memref<10112x64xf32, #tpu.memory_space<vmem_shared>>)
        tpu.yield
      }) : () -> ()
    }
    %scan3A_6 = arith.constant 79 : i32
    %barrier3A_7 = arith.constant 0 : index
    tpu.barrier barrier_id(%barrier3A_7)
    %mul3A_8 = arith.constant 632 : i32
    %mul3A_9 = arith.muli %arg1, %mul3A_8 : i32
    %mul3A_10 = arith.constant 632 : i32
    %mul3A_11 = arith.muli %arg1, %mul3A_10 : i32
    "tpu.region"() ({
      %run_scoped3A = tpu.sem_alloc : memref<!tpu.dma_semaphore, #tpu.memory_space<semaphore_mem>>
      %dma_start3A = arith.constant 0 : i32
      %dma_start3A_12 = tpu.memref_slice %arg6[%arg0, %mul3A_11, %dma_start3A] : memref<2x10112x64xf32, #tpu.memory_space<hbm>> -> memref<1x632x64xf32, #tpu.memory_space<hbm>>
      %dma_start3A_13 = tpu.memref_squeeze %dma_start3A_12 : memref<1x632x64xf32, #tpu.memory_space<hbm>> -> memref<632x64xf32, #tpu.memory_space<hbm>>
      %dma_start3A_14 = arith.constant 0 : i32
      %dma_start3A_15 = tpu.memref_slice %arg7[%mul3A_9, %dma_start3A_14] : memref<10112x64xf32, #tpu.memory_space<vmem_shared>> -> memref<632x64xf32, #tpu.memory_space<vmem_shared>>
      tpu.enqueue_dma source(%dma_start3A_15 : memref<632x64xf32, #tpu.memory_space<vmem_shared>>) target(%dma_start3A_13 : memref<632x64xf32, #tpu.memory_space<hbm>>) target_semaphore(%run_scoped3A : memref<!tpu.dma_semaphore, #tpu.memory_space<semaphore_mem>>)
      %dma_wait3A = arith.constant 0 : i32
      %dma_wait3A_16 = tpu.memref_slice %arg6[%arg0, %mul3A_11, %dma_wait3A] : memref<2x10112x64xf32, #tpu.memory_space<hbm>> -> memref<1x632x64xf32, #tpu.memory_space<hbm>>
      %dma_wait3A_17 = tpu.memref_squeeze %dma_wait3A_16 : memref<1x632x64xf32, #tpu.memory_space<hbm>> -> memref<632x64xf32, #tpu.memory_space<hbm>>
      %dma_wait3A_18 = arith.constant 0 : i32
      %dma_wait3A_19 = tpu.memref_slice %arg7[%mul3A_9, %dma_wait3A_18] : memref<10112x64xf32, #tpu.memory_space<vmem_shared>> -> memref<632x64xf32, #tpu.memory_space<vmem_shared>>
      tpu.wait_dma2 semaphore(%run_scoped3A : memref<!tpu.dma_semaphore, #tpu.memory_space<semaphore_mem>>) src(%dma_wait3A_19 : memref<632x64xf32, #tpu.memory_space<vmem_shared>>) dst(%dma_wait3A_17 : memref<632x64xf32, #tpu.memory_space<hbm>>)
      tpu.yield
    }) : () -> ()
    return
  }
}

#map = affine_map<(d0, d1) -> (0, 0)>
#map1 = affine_map<(d0, d1) -> (0, 0, 0)>
module attributes {stable_mosaic.version = 14 : i64} {
  func.func @k(%arg0: i32, %arg1: i32, %arg2: memref<12288x64xf32, #tpu.memory_space<hbm>>, %arg3: memref<32x3x128xi32, #tpu.memory_space<hbm>>, %arg4: memref<632x64xf32, #tpu.memory_space<hbm>>, %arg5: memref<2x256x64xf32, #tpu.memory_space<hbm>>, %arg6: memref<384x64xf32, #tpu.memory_space<vmem_shared>>, %arg7: memref<384x64xf32, #tpu.memory_space<vmem>>, %arg8: memref<3x128xi32, #tpu.memory_space<vmem>>) attributes {dimension_semantics = [#tpu.dimension_semantics<core_parallel>, #tpu.dimension_semantics<subcore_parallel>], iteration_bounds = array<i64: 2, 16>, scalar_prefetch = 0 : i64, scratch_operands = 3 : i64, tpu.core_type = #tpu.core_type<sc_vector_subcore>, window_params = [{transform_indices = #map}, {transform_indices = #map1}, {transform_indices = #map}, {transform_indices = #map1}]} {
    %mul3A = arith.constant 2 : i32
    %mul3A_0 = arith.muli %arg1, %mul3A : i32
    %add3A = arith.addi %mul3A_0, %arg0 : i32
    %mul3A_1 = arith.constant 24 : i32
    %mul3A_2 = arith.muli %arg1, %mul3A_1 : i32
    "tpu.region"() ({
      %run_scoped3A_12 = tpu.sem_alloc : memref<!tpu.dma_semaphore, #tpu.memory_space<semaphore_mem>>
      %dma_start3A = arith.constant 0 : i32
      %dma_start3A_13 = tpu.memref_slice %arg6[%mul3A_2, %dma_start3A] : memref<384x64xf32, #tpu.memory_space<vmem_shared>> -> memref<24x64xf32, #tpu.memory_space<vmem_shared>>
      %dma_start3A_14 = arith.constant 0 : i32
      %dma_start3A_15 = arith.constant 0 : i32
      %dma_start3A_16 = tpu.memref_slice %arg4[%dma_start3A_14, %dma_start3A_15] : memref<632x64xf32, #tpu.memory_space<hbm>> -> memref<24x64xf32, #tpu.memory_space<hbm>>
      tpu.enqueue_dma source(%dma_start3A_16 : memref<24x64xf32, #tpu.memory_space<hbm>>) target(%dma_start3A_13 : memref<24x64xf32, #tpu.memory_space<vmem_shared>>) target_semaphore(%run_scoped3A_12 : memref<!tpu.dma_semaphore, #tpu.memory_space<semaphore_mem>>)
      %dma_wait3A = arith.constant 0 : i32
      %dma_wait3A_17 = tpu.memref_slice %arg6[%mul3A_2, %dma_wait3A] : memref<384x64xf32, #tpu.memory_space<vmem_shared>> -> memref<24x64xf32, #tpu.memory_space<vmem_shared>>
      %dma_wait3A_18 = arith.constant 0 : i32
      %dma_wait3A_19 = arith.constant 0 : i32
      %dma_wait3A_20 = tpu.memref_slice %arg4[%dma_wait3A_18, %dma_wait3A_19] : memref<632x64xf32, #tpu.memory_space<hbm>> -> memref<24x64xf32, #tpu.memory_space<hbm>>
      tpu.wait_dma2 semaphore(%run_scoped3A_12 : memref<!tpu.dma_semaphore, #tpu.memory_space<semaphore_mem>>) src(%dma_wait3A_20 : memref<24x64xf32, #tpu.memory_space<hbm>>) dst(%dma_wait3A_17 : memref<24x64xf32, #tpu.memory_space<vmem_shared>>)
      tpu.yield
    }) : () -> ()
    %mul3A_3 = arith.constant 384 : i32
    %mul3A_4 = arith.muli %add3A, %mul3A_3 : i32
    "tpu.region"() ({
      %run_scoped3A_12 = tpu.sem_alloc : memref<!tpu.dma_semaphore, #tpu.memory_space<semaphore_mem>>
      %dma_start3A = arith.constant 0 : i32
      %dma_start3A_13 = tpu.memref_slice %arg2[%mul3A_4, %dma_start3A] : memref<12288x64xf32, #tpu.memory_space<hbm>> -> memref<384x64xf32, #tpu.memory_space<hbm>>
      %dma_start3A_14 = arith.constant 0 : i32
      %dma_start3A_15 = tpu.memref_slice %arg2[%mul3A_4, %dma_start3A_14] : memref<12288x64xf32, #tpu.memory_space<hbm>> -> memref<384x64xf32, #tpu.memory_space<hbm>>
      tpu.enqueue_dma source(%dma_start3A_15 : memref<384x64xf32, #tpu.memory_space<hbm>>) target(%arg7 : memref<384x64xf32, #tpu.memory_space<vmem>>) target_semaphore(%run_scoped3A_12 : memref<!tpu.dma_semaphore, #tpu.memory_space<semaphore_mem>>)
      %dma_wait3A = arith.constant 0 : i32
      %dma_wait3A_16 = tpu.memref_slice %arg2[%mul3A_4, %dma_wait3A] : memref<12288x64xf32, #tpu.memory_space<hbm>> -> memref<384x64xf32, #tpu.memory_space<hbm>>
      %dma_wait3A_17 = arith.constant 0 : i32
      %dma_wait3A_18 = tpu.memref_slice %arg2[%mul3A_4, %dma_wait3A_17] : memref<12288x64xf32, #tpu.memory_space<hbm>> -> memref<384x64xf32, #tpu.memory_space<hbm>>
      tpu.wait_dma2 semaphore(%run_scoped3A_12 : memref<!tpu.dma_semaphore, #tpu.memory_space<semaphore_mem>>) src(%dma_wait3A_18 : memref<384x64xf32, #tpu.memory_space<hbm>>) dst(%arg7 : memref<384x64xf32, #tpu.memory_space<vmem>>)
      tpu.yield
    }) : () -> ()
    "tpu.region"() ({
      %run_scoped3A_12 = tpu.sem_alloc : memref<!tpu.dma_semaphore, #tpu.memory_space<semaphore_mem>>
      %dma_start3A = arith.constant 0 : i32
      %dma_start3A_13 = arith.constant 0 : i32
      %dma_start3A_14 = tpu.memref_slice %arg3[%add3A, %dma_start3A, %dma_start3A_13] : memref<32x3x128xi32, #tpu.memory_space<hbm>> -> memref<1x3x128xi32, #tpu.memory_space<hbm>>
      %dma_start3A_15 = tpu.memref_squeeze %dma_start3A_14 : memref<1x3x128xi32, #tpu.memory_space<hbm>> -> memref<3x128xi32, #tpu.memory_space<hbm>>
      %dma_start3A_16 = arith.constant 0 : i32
      %dma_start3A_17 = arith.constant 0 : i32
      %dma_start3A_18 = tpu.memref_slice %arg3[%add3A, %dma_start3A_16, %dma_start3A_17] : memref<32x3x128xi32, #tpu.memory_space<hbm>> -> memref<1x3x128xi32, #tpu.memory_space<hbm>>
      %dma_start3A_19 = tpu.memref_squeeze %dma_start3A_18 : memref<1x3x128xi32, #tpu.memory_space<hbm>> -> memref<3x128xi32, #tpu.memory_space<hbm>>
      tpu.enqueue_dma source(%dma_start3A_19 : memref<3x128xi32, #tpu.memory_space<hbm>>) target(%arg8 : memref<3x128xi32, #tpu.memory_space<vmem>>) target_semaphore(%run_scoped3A_12 : memref<!tpu.dma_semaphore, #tpu.memory_space<semaphore_mem>>)
      %dma_wait3A = arith.constant 0 : i32
      %dma_wait3A_20 = arith.constant 0 : i32
      %dma_wait3A_21 = tpu.memref_slice %arg3[%add3A, %dma_wait3A, %dma_wait3A_20] : memref<32x3x128xi32, #tpu.memory_space<hbm>> -> memref<1x3x128xi32, #tpu.memory_space<hbm>>
      %dma_wait3A_22 = tpu.memref_squeeze %dma_wait3A_21 : memref<1x3x128xi32, #tpu.memory_space<hbm>> -> memref<3x128xi32, #tpu.memory_space<hbm>>
      %dma_wait3A_23 = arith.constant 0 : i32
      %dma_wait3A_24 = arith.constant 0 : i32
      %dma_wait3A_25 = tpu.memref_slice %arg3[%add3A, %dma_wait3A_23, %dma_wait3A_24] : memref<32x3x128xi32, #tpu.memory_space<hbm>> -> memref<1x3x128xi32, #tpu.memory_space<hbm>>
      %dma_wait3A_26 = tpu.memref_squeeze %dma_wait3A_25 : memref<1x3x128xi32, #tpu.memory_space<hbm>> -> memref<3x128xi32, #tpu.memory_space<hbm>>
      tpu.wait_dma2 semaphore(%run_scoped3A_12 : memref<!tpu.dma_semaphore, #tpu.memory_space<semaphore_mem>>) src(%dma_wait3A_26 : memref<3x128xi32, #tpu.memory_space<hbm>>) dst(%arg8 : memref<3x128xi32, #tpu.memory_space<vmem>>)
      tpu.yield
    }) : () -> ()
    %barrier3A = arith.constant 0 : index
    tpu.barrier barrier_id(%barrier3A)
    %run_scoped3A = arith.constant 0 : i32
    "tpu.region"() ({
      %run_scoped3A_12 = tpu.sem_alloc : memref<!tpu.dma_semaphore, #tpu.memory_space<semaphore_mem>>
      %dma_start3A = arith.constant 0 : i32
      %dma_start3A_13 = arith.constant 0 : i32
      %dma_start3A_14 = tpu.memref_slice %arg7[%dma_start3A, %dma_start3A_13] : memref<384x64xf32, #tpu.memory_space<vmem>> -> memref<128x64xf32, #tpu.memory_space<vmem>>
      %dma_start3A_15 = arith.constant 0 : i32
      %dma_start3A_16 = tpu.memref_slice %arg8[%run_scoped3A, %dma_start3A_15] : memref<3x128xi32, #tpu.memory_space<vmem>> -> memref<1x128xi32, #tpu.memory_space<vmem>>
      %dma_start3A_17 = tpu.memref_squeeze %dma_start3A_16 : memref<1x128xi32, #tpu.memory_space<vmem>> -> memref<128xi32, #tpu.memory_space<vmem>>
      %dma_start3A_18 = arith.constant 0 : i32
      %dma_start3A_19 = arith.constant 0 : i32
      %dma_start3A_20 = tpu.memref_slice %arg6[%dma_start3A_18, %dma_start3A_19] : memref<384x64xf32, #tpu.memory_space<vmem_shared>> -> memref<384x64xf32, #tpu.memory_space<vmem_shared>>
      tpu.enqueue_indirect_dma source(%dma_start3A_14 : memref<128x64xf32, #tpu.memory_space<vmem>>) target(%dma_start3A_20 : memref<384x64xf32, #tpu.memory_space<vmem_shared>>) offsets(%dma_start3A_17 : memref<128xi32, #tpu.memory_space<vmem>>) semaphore(%run_scoped3A_12 : memref<!tpu.dma_semaphore, #tpu.memory_space<semaphore_mem>>) {add = true}
      %dma_wait3A = arith.constant 0 : i32
      %dma_wait3A_21 = arith.constant 0 : i32
      %dma_wait3A_22 = tpu.memref_slice %arg7[%dma_wait3A, %dma_wait3A_21] : memref<384x64xf32, #tpu.memory_space<vmem>> -> memref<128x64xf32, #tpu.memory_space<vmem>>
      %dma_wait3A_23 = arith.constant 0 : i32
      %dma_wait3A_24 = tpu.memref_slice %arg8[%run_scoped3A, %dma_wait3A_23] : memref<3x128xi32, #tpu.memory_space<vmem>> -> memref<1x128xi32, #tpu.memory_space<vmem>>
      %dma_wait3A_25 = tpu.memref_squeeze %dma_wait3A_24 : memref<1x128xi32, #tpu.memory_space<vmem>> -> memref<128xi32, #tpu.memory_space<vmem>>
      %dma_wait3A_26 = arith.constant 0 : i32
      %dma_wait3A_27 = arith.constant 0 : i32
      %dma_wait3A_28 = tpu.memref_slice %arg6[%dma_wait3A_26, %dma_wait3A_27] : memref<384x64xf32, #tpu.memory_space<vmem_shared>> -> memref<384x64xf32, #tpu.memory_space<vmem_shared>>
      tpu.wait_indirect_dma semaphore(%run_scoped3A_12 : memref<!tpu.dma_semaphore, #tpu.memory_space<semaphore_mem>>) src(%dma_wait3A_22 : memref<128x64xf32, #tpu.memory_space<vmem>>) dst(%dma_wait3A_28 : memref<384x64xf32, #tpu.memory_space<vmem_shared>>)
      tpu.yield
    }) : () -> ()
    %run_scoped3A_5 = arith.constant 1 : i32
    "tpu.region"() ({
      %run_scoped3A_12 = tpu.sem_alloc : memref<!tpu.dma_semaphore, #tpu.memory_space<semaphore_mem>>
      %dma_start3A = arith.constant 128 : i32
      %dma_start3A_13 = arith.constant 0 : i32
      %dma_start3A_14 = tpu.memref_slice %arg7[%dma_start3A, %dma_start3A_13] : memref<384x64xf32, #tpu.memory_space<vmem>> -> memref<128x64xf32, #tpu.memory_space<vmem>>
      %dma_start3A_15 = arith.constant 0 : i32
      %dma_start3A_16 = tpu.memref_slice %arg8[%run_scoped3A_5, %dma_start3A_15] : memref<3x128xi32, #tpu.memory_space<vmem>> -> memref<1x128xi32, #tpu.memory_space<vmem>>
      %dma_start3A_17 = tpu.memref_squeeze %dma_start3A_16 : memref<1x128xi32, #tpu.memory_space<vmem>> -> memref<128xi32, #tpu.memory_space<vmem>>
      %dma_start3A_18 = arith.constant 0 : i32
      %dma_start3A_19 = arith.constant 0 : i32
      %dma_start3A_20 = tpu.memref_slice %arg6[%dma_start3A_18, %dma_start3A_19] : memref<384x64xf32, #tpu.memory_space<vmem_shared>> -> memref<384x64xf32, #tpu.memory_space<vmem_shared>>
      tpu.enqueue_indirect_dma source(%dma_start3A_14 : memref<128x64xf32, #tpu.memory_space<vmem>>) target(%dma_start3A_20 : memref<384x64xf32, #tpu.memory_space<vmem_shared>>) offsets(%dma_start3A_17 : memref<128xi32, #tpu.memory_space<vmem>>) semaphore(%run_scoped3A_12 : memref<!tpu.dma_semaphore, #tpu.memory_space<semaphore_mem>>) {add = true}
      %dma_wait3A = arith.constant 128 : i32
      %dma_wait3A_21 = arith.constant 0 : i32
      %dma_wait3A_22 = tpu.memref_slice %arg7[%dma_wait3A, %dma_wait3A_21] : memref<384x64xf32, #tpu.memory_space<vmem>> -> memref<128x64xf32, #tpu.memory_space<vmem>>
      %dma_wait3A_23 = arith.constant 0 : i32
      %dma_wait3A_24 = tpu.memref_slice %arg8[%run_scoped3A_5, %dma_wait3A_23] : memref<3x128xi32, #tpu.memory_space<vmem>> -> memref<1x128xi32, #tpu.memory_space<vmem>>
      %dma_wait3A_25 = tpu.memref_squeeze %dma_wait3A_24 : memref<1x128xi32, #tpu.memory_space<vmem>> -> memref<128xi32, #tpu.memory_space<vmem>>
      %dma_wait3A_26 = arith.constant 0 : i32
      %dma_wait3A_27 = arith.constant 0 : i32
      %dma_wait3A_28 = tpu.memref_slice %arg6[%dma_wait3A_26, %dma_wait3A_27] : memref<384x64xf32, #tpu.memory_space<vmem_shared>> -> memref<384x64xf32, #tpu.memory_space<vmem_shared>>
      tpu.wait_indirect_dma semaphore(%run_scoped3A_12 : memref<!tpu.dma_semaphore, #tpu.memory_space<semaphore_mem>>) src(%dma_wait3A_22 : memref<128x64xf32, #tpu.memory_space<vmem>>) dst(%dma_wait3A_28 : memref<384x64xf32, #tpu.memory_space<vmem_shared>>)
      tpu.yield
    }) : () -> ()
    %run_scoped3A_6 = arith.constant 2 : i32
    "tpu.region"() ({
      %run_scoped3A_12 = tpu.sem_alloc : memref<!tpu.dma_semaphore, #tpu.memory_space<semaphore_mem>>
      %dma_start3A = arith.constant 256 : i32
      %dma_start3A_13 = arith.constant 0 : i32
      %dma_start3A_14 = tpu.memref_slice %arg7[%dma_start3A, %dma_start3A_13] : memref<384x64xf32, #tpu.memory_space<vmem>> -> memref<128x64xf32, #tpu.memory_space<vmem>>
      %dma_start3A_15 = arith.constant 0 : i32
      %dma_start3A_16 = tpu.memref_slice %arg8[%run_scoped3A_6, %dma_start3A_15] : memref<3x128xi32, #tpu.memory_space<vmem>> -> memref<1x128xi32, #tpu.memory_space<vmem>>
      %dma_start3A_17 = tpu.memref_squeeze %dma_start3A_16 : memref<1x128xi32, #tpu.memory_space<vmem>> -> memref<128xi32, #tpu.memory_space<vmem>>
      %dma_start3A_18 = arith.constant 0 : i32
      %dma_start3A_19 = arith.constant 0 : i32
      %dma_start3A_20 = tpu.memref_slice %arg6[%dma_start3A_18, %dma_start3A_19] : memref<384x64xf32, #tpu.memory_space<vmem_shared>> -> memref<384x64xf32, #tpu.memory_space<vmem_shared>>
      tpu.enqueue_indirect_dma source(%dma_start3A_14 : memref<128x64xf32, #tpu.memory_space<vmem>>) target(%dma_start3A_20 : memref<384x64xf32, #tpu.memory_space<vmem_shared>>) offsets(%dma_start3A_17 : memref<128xi32, #tpu.memory_space<vmem>>) semaphore(%run_scoped3A_12 : memref<!tpu.dma_semaphore, #tpu.memory_space<semaphore_mem>>) {add = true}
      %dma_wait3A = arith.constant 256 : i32
      %dma_wait3A_21 = arith.constant 0 : i32
      %dma_wait3A_22 = tpu.memref_slice %arg7[%dma_wait3A, %dma_wait3A_21] : memref<384x64xf32, #tpu.memory_space<vmem>> -> memref<128x64xf32, #tpu.memory_space<vmem>>
      %dma_wait3A_23 = arith.constant 0 : i32
      %dma_wait3A_24 = tpu.memref_slice %arg8[%run_scoped3A_6, %dma_wait3A_23] : memref<3x128xi32, #tpu.memory_space<vmem>> -> memref<1x128xi32, #tpu.memory_space<vmem>>
      %dma_wait3A_25 = tpu.memref_squeeze %dma_wait3A_24 : memref<1x128xi32, #tpu.memory_space<vmem>> -> memref<128xi32, #tpu.memory_space<vmem>>
      %dma_wait3A_26 = arith.constant 0 : i32
      %dma_wait3A_27 = arith.constant 0 : i32
      %dma_wait3A_28 = tpu.memref_slice %arg6[%dma_wait3A_26, %dma_wait3A_27] : memref<384x64xf32, #tpu.memory_space<vmem_shared>> -> memref<384x64xf32, #tpu.memory_space<vmem_shared>>
      tpu.wait_indirect_dma semaphore(%run_scoped3A_12 : memref<!tpu.dma_semaphore, #tpu.memory_space<semaphore_mem>>) src(%dma_wait3A_22 : memref<128x64xf32, #tpu.memory_space<vmem>>) dst(%dma_wait3A_28 : memref<384x64xf32, #tpu.memory_space<vmem_shared>>)
      tpu.yield
    }) : () -> ()
    %barrier3A_7 = arith.constant 0 : index
    tpu.barrier barrier_id(%barrier3A_7)
    %mul3A_8 = arith.constant 16 : i32
    %mul3A_9 = arith.muli %arg1, %mul3A_8 : i32
    %mul3A_10 = arith.constant 16 : i32
    %mul3A_11 = arith.muli %arg1, %mul3A_10 : i32
    "tpu.region"() ({
      %run_scoped3A_12 = tpu.sem_alloc : memref<!tpu.dma_semaphore, #tpu.memory_space<semaphore_mem>>
      %dma_start3A = arith.constant 0 : i32
      %dma_start3A_13 = tpu.memref_slice %arg5[%arg0, %mul3A_11, %dma_start3A] : memref<2x256x64xf32, #tpu.memory_space<hbm>> -> memref<1x16x64xf32, #tpu.memory_space<hbm>>
      %dma_start3A_14 = tpu.memref_squeeze %dma_start3A_13 : memref<1x16x64xf32, #tpu.memory_space<hbm>> -> memref<16x64xf32, #tpu.memory_space<hbm>>
      %dma_start3A_15 = arith.constant 0 : i32
      %dma_start3A_16 = tpu.memref_slice %arg6[%mul3A_9, %dma_start3A_15] : memref<384x64xf32, #tpu.memory_space<vmem_shared>> -> memref<16x64xf32, #tpu.memory_space<vmem_shared>>
      tpu.enqueue_dma source(%dma_start3A_16 : memref<16x64xf32, #tpu.memory_space<vmem_shared>>) target(%dma_start3A_14 : memref<16x64xf32, #tpu.memory_space<hbm>>) target_semaphore(%run_scoped3A_12 : memref<!tpu.dma_semaphore, #tpu.memory_space<semaphore_mem>>)
      %dma_wait3A = arith.constant 0 : i32
      %dma_wait3A_17 = tpu.memref_slice %arg5[%arg0, %mul3A_11, %dma_wait3A] : memref<2x256x64xf32, #tpu.memory_space<hbm>> -> memref<1x16x64xf32, #tpu.memory_space<hbm>>
      %dma_wait3A_18 = tpu.memref_squeeze %dma_wait3A_17 : memref<1x16x64xf32, #tpu.memory_space<hbm>> -> memref<16x64xf32, #tpu.memory_space<hbm>>
      %dma_wait3A_19 = arith.constant 0 : i32
      %dma_wait3A_20 = tpu.memref_slice %arg6[%mul3A_9, %dma_wait3A_19] : memref<384x64xf32, #tpu.memory_space<vmem_shared>> -> memref<16x64xf32, #tpu.memory_space<vmem_shared>>
      tpu.wait_dma2 semaphore(%run_scoped3A_12 : memref<!tpu.dma_semaphore, #tpu.memory_space<semaphore_mem>>) src(%dma_wait3A_20 : memref<16x64xf32, #tpu.memory_space<vmem_shared>>) dst(%dma_wait3A_18 : memref<16x64xf32, #tpu.memory_space<hbm>>)
      tpu.yield
    }) : () -> ()
    return
  }
}

module attributes {stable_mosaic.version = 14 : i64} {
  func.func @_l1_body(%arg0: memref<10000x128xf32, #tpu.memory_space<vmem>>, %arg1: memref<128x64xf32, #tpu.memory_space<vmem>>, %arg2: memref<2x10112x16xf32, #tpu.memory_space<vmem>>, %arg3: memref<10000x64xf32, #tpu.memory_space<vmem>>) attributes {dimension_semantics = [], scalar_prefetch = 0 : i64, scratch_operands = 0 : i64, tpu.core_type = #tpu.core_type<tc>} {
    %get3A = arith.constant 0 : index
    %get3A_0 = arith.constant 0 : index
    %get3A_1 = arith.constant 0 : index
    %get3A_2 = vector.load %arg2[%get3A, %get3A_0, %get3A_1] : memref<2x10112x16xf32, #tpu.memory_space<vmem>>, vector<1x10000x1xf32>
    %get3A_3 = vector.shape_cast %get3A_2 : vector<1x10000x1xf32> to vector<10000x1xf32>
    %get3A_4 = arith.constant 1 : index
    %get3A_5 = arith.constant 0 : index
    %get3A_6 = arith.constant 0 : index
    %get3A_7 = vector.load %arg2[%get3A_4, %get3A_5, %get3A_6] : memref<2x10112x16xf32, #tpu.memory_space<vmem>>, vector<1x10000x1xf32>
    %get3A_8 = vector.shape_cast %get3A_7 : vector<1x10000x1xf32> to vector<10000x1xf32>
    %add3A = arith.addf %get3A_3, %get3A_8 : vector<10000x1xf32>
    %add3A_9 = arith.constant 1.000000e+00 : f32
    %add3A_10 = vector.broadcast %add3A_9 : f32 to vector<10000x1xf32>
    %add3A_11 = arith.addf %add3A, %add3A_10 : vector<10000x1xf32>
    %sqrt3A = math.sqrt %add3A_11 : vector<10000x1xf32>
    %div3A = arith.constant 1.000000e+00 : f32
    %div3A_12 = vector.broadcast %div3A : f32 to vector<10000x1xf32>
    %div3A_13 = arith.divf %div3A_12, %sqrt3A : vector<10000x1xf32>
    %get3A_14 = arith.constant 0 : index
    %get3A_15 = arith.constant 0 : index
    %get3A_16 = vector.load %arg0[%get3A_14, %get3A_15] : memref<10000x128xf32, #tpu.memory_space<vmem>>, vector<10000x128xf32>
    %get3A_17 = arith.constant 0 : index
    %get3A_18 = arith.constant 0 : index
    %get3A_19 = vector.load %arg1[%get3A_17, %get3A_18] : memref<128x64xf32, #tpu.memory_space<vmem>>, vector<128x64xf32>
    %dot_general3A = arith.constant dense<0.000000e+00> : vector<10000x64xf32>
    %dot_general3A_20 = tpu.matmul %get3A_16, %get3A_19, %dot_general3A {dimension_numbers = #tpu.dot_dimension_numbers<[1], [0], [0], [1], [0, 0, 1, 1], [], []>, transpose_lhs_hint = false} : vector<10000x128xf32>, vector<128x64xf32>, vector<10000x64xf32> -> vector<10000x64xf32>
    %mul3A = vector.broadcast %div3A_13 : vector<10000x1xf32> to vector<10000x64xf32>
    %mul3A_21 = arith.mulf %dot_general3A_20, %mul3A : vector<10000x64xf32>
    %swap3A = arith.constant 0 : index
    %swap3A_22 = arith.constant 0 : index
    %swap3A_23 = vector.load %arg3[%swap3A, %swap3A_22] : memref<10000x64xf32, #tpu.memory_space<vmem>>, vector<10000x64xf32>
    tpu.vector_store %arg3[%swap3A, %swap3A_22], %mul3A_21 {strides = array<i32>} : memref<10000x64xf32, #tpu.memory_space<vmem>>, vector<10000x64xf32>,
    return
  }
}

module attributes {stable_mosaic.version = 14 : i64} {
  func.func @_mid_body(%arg0: memref<2x10112x64xf32, #tpu.memory_space<vmem>>, %arg1: memref<10000x64xf32, #tpu.memory_space<vmem>>, %arg2: memref<2x10112x16xf32, #tpu.memory_space<vmem>>, %arg3: memref<1x64xf32, #tpu.memory_space<vmem>>, %arg4: memref<64x64xf32, #tpu.memory_space<vmem>>, %arg5: memref<10000x64xf32, #tpu.memory_space<vmem>>) attributes {dimension_semantics = [], scalar_prefetch = 0 : i64, scratch_operands = 0 : i64, tpu.core_type = #tpu.core_type<tc>} {
    %get3A = arith.constant 0 : index
    %get3A_0 = arith.constant 0 : index
    %get3A_1 = arith.constant 0 : index
    %get3A_2 = vector.load %arg2[%get3A, %get3A_0, %get3A_1] : memref<2x10112x16xf32, #tpu.memory_space<vmem>>, vector<1x10000x1xf32>
    %get3A_3 = vector.shape_cast %get3A_2 : vector<1x10000x1xf32> to vector<10000x1xf32>
    %get3A_4 = arith.constant 1 : index
    %get3A_5 = arith.constant 0 : index
    %get3A_6 = arith.constant 0 : index
    %get3A_7 = vector.load %arg2[%get3A_4, %get3A_5, %get3A_6] : memref<2x10112x16xf32, #tpu.memory_space<vmem>>, vector<1x10000x1xf32>
    %get3A_8 = vector.shape_cast %get3A_7 : vector<1x10000x1xf32> to vector<10000x1xf32>
    %add3A = arith.addf %get3A_3, %get3A_8 : vector<10000x1xf32>
    %add3A_9 = arith.constant 1.000000e+00 : f32
    %add3A_10 = vector.broadcast %add3A_9 : f32 to vector<10000x1xf32>
    %add3A_11 = arith.addf %add3A, %add3A_10 : vector<10000x1xf32>
    %sqrt3A = math.sqrt %add3A_11 : vector<10000x1xf32>
    %div3A = arith.constant 1.000000e+00 : f32
    %div3A_12 = vector.broadcast %div3A : f32 to vector<10000x1xf32>
    %div3A_13 = arith.divf %div3A_12, %sqrt3A : vector<10000x1xf32>
    %get3A_14 = arith.constant 0 : index
    %get3A_15 = arith.constant 0 : index
    %get3A_16 = arith.constant 0 : index
    %get3A_17 = vector.load %arg0[%get3A_14, %get3A_15, %get3A_16] : memref<2x10112x64xf32, #tpu.memory_space<vmem>>, vector<1x10000x64xf32>
    %get3A_18 = vector.shape_cast %get3A_17 : vector<1x10000x64xf32> to vector<10000x64xf32>
    %get3A_19 = arith.constant 1 : index
    %get3A_20 = arith.constant 0 : index
    %get3A_21 = arith.constant 0 : index
    %get3A_22 = vector.load %arg0[%get3A_19, %get3A_20, %get3A_21] : memref<2x10112x64xf32, #tpu.memory_space<vmem>>, vector<1x10000x64xf32>
    %get3A_23 = vector.shape_cast %get3A_22 : vector<1x10000x64xf32> to vector<10000x64xf32>
    %add3A_24 = arith.addf %get3A_18, %get3A_23 : vector<10000x64xf32>
    %get3A_25 = arith.constant 0 : index
    %get3A_26 = arith.constant 0 : index
    %get3A_27 = vector.load %arg1[%get3A_25, %get3A_26] : memref<10000x64xf32, #tpu.memory_space<vmem>>, vector<10000x64xf32>
    %add3A_28 = arith.addf %add3A_24, %get3A_27 : vector<10000x64xf32>
    %mul3A = vector.broadcast %div3A_13 : vector<10000x1xf32> to vector<10000x64xf32>
    %mul3A_29 = arith.mulf %add3A_28, %mul3A : vector<10000x64xf32>
    %get3A_30 = arith.constant 0 : index
    %get3A_31 = arith.constant 0 : index
    %get3A_32 = vector.load %arg3[%get3A_30, %get3A_31] : memref<1x64xf32, #tpu.memory_space<vmem>>, vector<1x64xf32>
    %add3A_33 = vector.broadcast %get3A_32 : vector<1x64xf32> to vector<10000x64xf32>
    %add3A_34 = arith.addf %mul3A_29, %add3A_33 : vector<10000x64xf32>
    %max3A = arith.constant 0.000000e+00 : f32
    %max3A_35 = vector.broadcast %max3A : f32 to vector<10000x64xf32>
    %max3A_36 = arith.maximumf %add3A_34, %max3A_35 : vector<10000x64xf32>
    %get3A_37 = arith.constant 0 : index
    %get3A_38 = arith.constant 0 : index
    %get3A_39 = vector.load %arg4[%get3A_37, %get3A_38] : memref<64x64xf32, #tpu.memory_space<vmem>>, vector<64x64xf32>
    %dot_general3A = arith.constant dense<0.000000e+00> : vector<10000x64xf32>
    %dot_general3A_40 = tpu.matmul %max3A_36, %get3A_39, %dot_general3A {dimension_numbers = #tpu.dot_dimension_numbers<[1], [0], [0], [1], [0, 0, 1, 1], [], []>, transpose_lhs_hint = false} : vector<10000x64xf32>, vector<64x64xf32>, vector<10000x64xf32> -> vector<10000x64xf32>
    %mul3A_41 = vector.broadcast %div3A_13 : vector<10000x1xf32> to vector<10000x64xf32>
    %mul3A_42 = arith.mulf %dot_general3A_40, %mul3A_41 : vector<10000x64xf32>
    %swap3A = arith.constant 0 : index
    %swap3A_43 = arith.constant 0 : index
    %swap3A_44 = vector.load %arg5[%swap3A, %swap3A_43] : memref<10000x64xf32, #tpu.memory_space<vmem>>, vector<10000x64xf32>
    tpu.vector_store %arg5[%swap3A, %swap3A_43], %mul3A_42 {strides = array<i32>} : memref<10000x64xf32, #tpu.memory_space<vmem>>, vector<10000x64xf32>,
    return
  }
}

module attributes {stable_mosaic.version = 14 : i64} {
  func.func @_fin_body(%arg0: memref<2x10112x64xf32, #tpu.memory_space<vmem>>, %arg1: memref<10000x64xf32, #tpu.memory_space<vmem>>, %arg2: memref<2x10112x16xf32, #tpu.memory_space<vmem>>, %arg3: memref<1x64xf32, #tpu.memory_space<vmem>>, %arg4: memref<12288x64xf32, #tpu.memory_space<vmem>>) attributes {dimension_semantics = [], scalar_prefetch = 0 : i64, scratch_operands = 0 : i64, tpu.core_type = #tpu.core_type<tc>} {
    %get3A = arith.constant 0 : index
    %get3A_0 = arith.constant 0 : index
    %get3A_1 = arith.constant 0 : index
    %get3A_2 = vector.load %arg2[%get3A, %get3A_0, %get3A_1] : memref<2x10112x16xf32, #tpu.memory_space<vmem>>, vector<1x10000x1xf32>
    %get3A_3 = vector.shape_cast %get3A_2 : vector<1x10000x1xf32> to vector<10000x1xf32>
    %get3A_4 = arith.constant 1 : index
    %get3A_5 = arith.constant 0 : index
    %get3A_6 = arith.constant 0 : index
    %get3A_7 = vector.load %arg2[%get3A_4, %get3A_5, %get3A_6] : memref<2x10112x16xf32, #tpu.memory_space<vmem>>, vector<1x10000x1xf32>
    %get3A_8 = vector.shape_cast %get3A_7 : vector<1x10000x1xf32> to vector<10000x1xf32>
    %add3A = arith.addf %get3A_3, %get3A_8 : vector<10000x1xf32>
    %add3A_9 = arith.constant 1.000000e+00 : f32
    %add3A_10 = vector.broadcast %add3A_9 : f32 to vector<10000x1xf32>
    %add3A_11 = arith.addf %add3A, %add3A_10 : vector<10000x1xf32>
    %sqrt3A = math.sqrt %add3A_11 : vector<10000x1xf32>
    %div3A = arith.constant 1.000000e+00 : f32
    %div3A_12 = vector.broadcast %div3A : f32 to vector<10000x1xf32>
    %div3A_13 = arith.divf %div3A_12, %sqrt3A : vector<10000x1xf32>
    %get3A_14 = arith.constant 0 : index
    %get3A_15 = arith.constant 0 : index
    %get3A_16 = arith.constant 0 : index
    %get3A_17 = vector.load %arg0[%get3A_14, %get3A_15, %get3A_16] : memref<2x10112x64xf32, #tpu.memory_space<vmem>>, vector<1x10000x64xf32>
    %get3A_18 = vector.shape_cast %get3A_17 : vector<1x10000x64xf32> to vector<10000x64xf32>
    %get3A_19 = arith.constant 1 : index
    %get3A_20 = arith.constant 0 : index
    %get3A_21 = arith.constant 0 : index
    %get3A_22 = vector.load %arg0[%get3A_19, %get3A_20, %get3A_21] : memref<2x10112x64xf32, #tpu.memory_space<vmem>>, vector<1x10000x64xf32>
    %get3A_23 = vector.shape_cast %get3A_22 : vector<1x10000x64xf32> to vector<10000x64xf32>
    %add3A_24 = arith.addf %get3A_18, %get3A_23 : vector<10000x64xf32>
    %get3A_25 = arith.constant 0 : index
    %get3A_26 = arith.constant 0 : index
    %get3A_27 = vector.load %arg1[%get3A_25, %get3A_26] : memref<10000x64xf32, #tpu.memory_space<vmem>>, vector<10000x64xf32>
    %add3A_28 = arith.addf %add3A_24, %get3A_27 : vector<10000x64xf32>
    %mul3A = vector.broadcast %div3A_13 : vector<10000x1xf32> to vector<10000x64xf32>
    %mul3A_29 = arith.mulf %add3A_28, %mul3A : vector<10000x64xf32>
    %get3A_30 = arith.constant 0 : index
    %get3A_31 = arith.constant 0 : index
    %get3A_32 = vector.load %arg3[%get3A_30, %get3A_31] : memref<1x64xf32, #tpu.memory_space<vmem>>, vector<1x64xf32>
    %add3A_33 = vector.broadcast %get3A_32 : vector<1x64xf32> to vector<10000x64xf32>
    %add3A_34 = arith.addf %mul3A_29, %add3A_33 : vector<10000x64xf32>
    %max3A = arith.constant 0.000000e+00 : f32
    %max3A_35 = vector.broadcast %max3A : f32 to vector<10000x64xf32>
    %max3A_36 = arith.maximumf %add3A_34, %max3A_35 : vector<10000x64xf32>
    %swap3A = arith.constant 0 : index
    %swap3A_37 = arith.constant 0 : index
    %swap3A_38 = vector.load %arg4[%swap3A, %swap3A_37] : memref<12288x64xf32, #tpu.memory_space<vmem>>, vector<10000x64xf32>
    tpu.vector_store %arg4[%swap3A, %swap3A_37], %max3A_36 {strides = array<i32>} : memref<12288x64xf32, #tpu.memory_space<vmem>>, vector<10000x64xf32>,
    %broadcast_in_dim3A = arith.constant 0.000000e+00 : f32
    %broadcast_in_dim3A_39 = vector.broadcast %broadcast_in_dim3A : f32 to vector<2288x64xf32>
    %swap3A_40 = arith.constant 10000 : index
    %swap3A_41 = arith.constant 0 : index
    %swap3A_42 = vector.load %arg4[%swap3A_40, %swap3A_41] : memref<12288x64xf32, #tpu.memory_space<vmem>>, vector<2288x64xf32>
    tpu.vector_store %arg4[%swap3A_40, %swap3A_41], %broadcast_in_dim3A_39 {strides = array<i32>} : memref<12288x64xf32, #tpu.memory_space<vmem>>, vector<2288x64xf32>,
    return
  }
}

module attributes {stable_mosaic.version = 14 : i64} {
  func.func @_mlp_body(%arg0: memref<2x256x64xf32, #tpu.memory_space<vmem>>, %arg1: memref<2x384x16xf32, #tpu.memory_space<vmem>>, %arg2: memref<64x10xf32, #tpu.memory_space<vmem>>, %arg3: memref<1x10xf32, #tpu.memory_space<vmem>>, %arg4: memref<10x1xf32, #tpu.memory_space<vmem>>, %arg5: memref<1x1xf32, #tpu.memory_space<vmem>>, %arg6: memref<256x1xf32, #tpu.memory_space<vmem>>) attributes {dimension_semantics = [], scalar_prefetch = 0 : i64, scratch_operands = 0 : i64, tpu.core_type = #tpu.core_type<tc>} {
    %get3A = arith.constant 0 : index
    %get3A_0 = arith.constant 0 : index
    %get3A_1 = arith.constant 0 : index
    %get3A_2 = vector.load %arg0[%get3A, %get3A_0, %get3A_1] : memref<2x256x64xf32, #tpu.memory_space<vmem>>, vector<1x256x64xf32>
    %get3A_3 = vector.shape_cast %get3A_2 : vector<1x256x64xf32> to vector<256x64xf32>
    %get3A_4 = arith.constant 1 : index
    %get3A_5 = arith.constant 0 : index
    %get3A_6 = arith.constant 0 : index
    %get3A_7 = vector.load %arg0[%get3A_4, %get3A_5, %get3A_6] : memref<2x256x64xf32, #tpu.memory_space<vmem>>, vector<1x256x64xf32>
    %get3A_8 = vector.shape_cast %get3A_7 : vector<1x256x64xf32> to vector<256x64xf32>
    %add3A = arith.addf %get3A_3, %get3A_8 : vector<256x64xf32>
    %get3A_9 = arith.constant 0 : index
    %get3A_10 = arith.constant 0 : index
    %get3A_11 = arith.constant 0 : index
    %get3A_12 = vector.load %arg1[%get3A_9, %get3A_10, %get3A_11] : memref<2x384x16xf32, #tpu.memory_space<vmem>>, vector<1x256x1xf32>
    %get3A_13 = vector.shape_cast %get3A_12 : vector<1x256x1xf32> to vector<256x1xf32>
    %get3A_14 = arith.constant 1 : index
    %get3A_15 = arith.constant 0 : index
    %get3A_16 = arith.constant 0 : index
    %get3A_17 = vector.load %arg1[%get3A_14, %get3A_15, %get3A_16] : memref<2x384x16xf32, #tpu.memory_space<vmem>>, vector<1x256x1xf32>
    %get3A_18 = vector.shape_cast %get3A_17 : vector<1x256x1xf32> to vector<256x1xf32>
    %add3A_19 = arith.addf %get3A_13, %get3A_18 : vector<256x1xf32>
    %max3A = arith.constant 1.000000e+00 : f32
    %max3A_20 = vector.broadcast %max3A : f32 to vector<256x1xf32>
    %max3A_21 = arith.maximumf %add3A_19, %max3A_20 : vector<256x1xf32>
    %div3A = vector.broadcast %max3A_21 : vector<256x1xf32> to vector<256x64xf32>
    %div3A_22 = arith.divf %add3A, %div3A : vector<256x64xf32>
    %get3A_23 = arith.constant 0 : index
    %get3A_24 = arith.constant 0 : index
    %get3A_25 = vector.load %arg2[%get3A_23, %get3A_24] : memref<64x10xf32, #tpu.memory_space<vmem>>, vector<64x10xf32>
    %dot_general3A = arith.constant dense<0.000000e+00> : vector<256x10xf32>
    %dot_general3A_26 = tpu.matmul %div3A_22, %get3A_25, %dot_general3A {dimension_numbers = #tpu.dot_dimension_numbers<[1], [0], [0], [1], [0, 0, 1, 1], [], []>, transpose_lhs_hint = false} : vector<256x64xf32>, vector<64x10xf32>, vector<256x10xf32> -> vector<256x10xf32>
    %get3A_27 = arith.constant 0 : index
    %get3A_28 = arith.constant 0 : index
    %get3A_29 = vector.load %arg3[%get3A_27, %get3A_28] : memref<1x10xf32, #tpu.memory_space<vmem>>, vector<1x10xf32>
    %add3A_30 = vector.broadcast %get3A_29 : vector<1x10xf32> to vector<256x10xf32>
    %add3A_31 = arith.addf %dot_general3A_26, %add3A_30 : vector<256x10xf32>
    %max3A_32 = arith.constant 0.000000e+00 : f32
    %max3A_33 = vector.broadcast %max3A_32 : f32 to vector<256x10xf32>
    %max3A_34 = arith.maximumf %add3A_31, %max3A_33 : vector<256x10xf32>
    %get3A_35 = arith.constant 0 : index
    %get3A_36 = arith.constant 0 : index
    %get3A_37 = vector.load %arg4[%get3A_35, %get3A_36] : memref<10x1xf32, #tpu.memory_space<vmem>>, vector<10x1xf32>
    %dot_general3A_38 = arith.constant dense<0.000000e+00> : vector<256x1xf32>
    %dot_general3A_39 = tpu.matmul %max3A_34, %get3A_37, %dot_general3A_38 {dimension_numbers = #tpu.dot_dimension_numbers<[1], [0], [0], [1], [0, 0, 1, 1], [], []>, transpose_lhs_hint = false} : vector<256x10xf32>, vector<10x1xf32>, vector<256x1xf32> -> vector<256x1xf32>
    %get3A_40 = arith.constant 0 : index
    %get3A_41 = arith.constant 0 : index
    %get3A_42 = vector.load %arg5[%get3A_40, %get3A_41] : memref<1x1xf32, #tpu.memory_space<vmem>>, vector<1x1xf32>
    %add3A_43 = vector.broadcast %get3A_42 : vector<1x1xf32> to vector<256x1xf32>
    %add3A_44 = arith.addf %dot_general3A_39, %add3A_43 : vector<256x1xf32>
    %swap3A = arith.constant 0 : index
    %swap3A_45 = arith.constant 0 : index
    %swap3A_46 = vector.load %arg6[%swap3A, %swap3A_45] : memref<256x1xf32, #tpu.memory_space<vmem>>, vector<256x1xf32>
    tpu.vector_store %arg6[%swap3A, %swap3A_45], %add3A_44 {strides = array<i32>} : memref<256x1xf32, #tpu.memory_space<vmem>>, vector<256x1xf32>,
    return
  }
}

</mosaic_0001>

<sc_bundles>
// kernel: kernel.12.cloned.1.call-start
scs
__scs_entry_jumppad:
0x0: {  	(pc) =	sbr.rel $0x88, $3  }
0x1: {  	(tag) =	ssettag $0x0;
	lr =	simm.s32 $0x1  }
0x2: {  	[smem:$0x3F94] =	sst lr;
	_ =	strace $0xD0000000  }
0x3: {  	_ = 	snop  }
0x4: {  	_ = 	snop  }
0x5: {  	_ = 	snop  }
0x6: {  	_ = 	snop  }
0x7: {  	_ = 	snop  }
__scs_overlays_trampoline_lowered:
0x8: {  	[smem:$0x3FA3] =	sst s0  }
0x9: {  	[smem:$0x3FA4] =	sst s1  }
0xa: {  	[smem:$0x3FA5] =	sst s2  }
0xb: {  	[smem:$0x3FA6] =	sst s3  }
0xc: {  	[smem:$0x3FA7] =	sst s4  }
0xd: {  	[smem:$0x3FA8] =	sst s5  }
0xe: {  	[smem:$0x3FA9] =	sst s6  }
0xf: {  	[smem:$0x3FAA] =	sst s7  }
0x10: {  	[smem:$0x3FAB] =	sst s8  }
0x11: {  	[smem:$0x3FAC] =	sst s9;
	s0 =	simm.s32 @!p0 $0x0  }
0x12: {  	s1 =	sld [smem:$0x3F92];
	s0 =	simm.s32 @p0 $0x1  }
0x13: {  	[smem:$0x3FAD] =	sst s0;
	s0 =	simm.s32 @!p1 $0x0  }
0x14: {  	s2 =	sld [smem:$0x3F91];
	s0 =	simm.s32 @p1 $0x1  }
0x15: {  	[smem:$0x3FAE] =	sst s0;
	s0 =	simm.s32 @!p2 $0x0  }
0x16: {  	s3 =	sld [smem:$0x3FDB];
	s0 =	simm.s32 @p2 $0x1  }
0x17: {  	s4 =	simm.s32 $0x1BF5;
	[smem:$0x3FB0] =	sst s0  }
0x18: {  	s0 =	sld [smem:$0x3F93];
	_ =	swait.ge [sflag:s4], $0x0  }
0x19: {  	s7 =	sld [smem:$0x3F94]  }
0x1a: {  	s8 =	sadd.s32 $0xFFFFE003, lr  }
0x1b: {  	s9 =	sadd.s32 $0xFFFFFEF7, lr;
	s5 =	simm.s32 $0xFFFFFFFF;
	p2 =	slt.u32 s8, $0xFFFFF086  }
0x1c: {  	p1 =	slt.u32 s9, $0xF7A;
	s5 =	simm.s32 @!p2 $0x0  }
0x1d: {  	s5 =	simm.s32 @p1 $0x1;
	p0 =	seq.s32 s7, s2  }
0x1e: {  	s7 =	smul.u32 @!p0 $0xF7A, s2;
	p2 =	seq.s32 @!p0 s5, $0x0  }
0x1f: {  	s9 =	smul.u32 $0xF7A, s1;
	s8 =	simm.s32 @!p0 $0x1BF5;
	p2 =	por !p2, p0  }
0x20: {  	[sflag:s8] =	ssyncset.s32 @!p0 $0xFFFFF086;
	s6 =	sadd.s32 @!p0 s3, s7;
	s7 =	simm.s32 @!p0 $0x108  }
0x21: {  	s3 =	sadd.s32 s3, s9;
	s6 =	sadd.s32 @!p0 $0x88, s6;
	s7 =	simm.s32 @p2 $0x1082  }
0x22: {  	[simem:s7], [sflag:s8] =	dma.local @!p0 [hbm:s6], $0xF7A  }
0x23: {  	s9 =	sor.u32 $0xD0000000, s2;
	s6 =	simm.s32 $0x108;
	_ =	swait.ge @!p0 [sflag:s8], $0x0  }
0x24: {  	s3 =	sadd.s32 $0x88, s3;
	s6 =	simm.s32 @!p1 $0x1082;
	[sflag:s4] =	ssyncset.s32 $0xFFFFF086  }
0x25: {  	[simem:s6], [sflag:s4] =	dma.local [hbm:s3], $0xF7A  }
0x26: {  	[smem:$0x3F94] =	sst s1;
	(tag) =	ssettag s2;
	_ =	strace s9  }
0x27: {  	s1 =	sld [smem:$0x3FA4]  }
0x28: {  	s2 =	sld [smem:$0x3FA5]  }
0x29: {  	s4 =	sld [smem:$0x3FA7]  }
0x2a: {  	p0 =	seq.s32 s5, $0x0;
	s5 =	sld [smem:$0x3FA8]  }
0x2b: {  	s6 =	sld [smem:$0x3FA9]  }
0x2c: {  	s7 =	sld [smem:$0x3FAA]  }
0x2d: {  	s3 =	simm.s32 $0x108;
	s8 =	sld [smem:$0x3FAB]  }
0x2e: {  	s3 =	simm.s32 @!p0 $0x1082;
	s9 =	sld [smem:$0x3FAC]  }
0x2f: {  	lr =	sadd.s32 s0, s3;
	s0 =	sld [smem:$0x3FA3]  }
0x30: {  	s3 =	sld [smem:$0x3FA6]  }
0x31: {  	[smem:$0x3FAF] =	sst s10  }
0x32: {  	s10 =	sld [smem:$0x3FAD];
	_ =	sdelay $0x3  }
0x33: {  	p0 =	seq.s32 s10, $0x1;
	s10 =	sld [smem:$0x3FAF];
	_ =	sdelay $0x3  }
0x34: {  	[smem:$0x3FAF] =	sst s10  }
0x35: {  	s10 =	sld [smem:$0x3FAE];
	_ =	sdelay $0x3  }
0x36: {  	p1 =	seq.s32 s10, $0x1;
	s10 =	sld [smem:$0x3FAF];
	_ =	sdelay $0x3  }
0x37: {  	[smem:$0x3FAF] =	sst s10  }
0x38: {  	s10 =	sld [smem:$0x3FB0]  }
0x39: {  	_ = 	snop;
	(pc) =	sbr.ind lr, $3  }
0x3a: {  	_ = 	snop  }
0x3b: {  	_ = 	snop  }
0x3c: {  	p2 =	seq.s32 s10, $0x1;
	s10 =	sld [smem:$0x3FAF]  }
0x3d: {  	_ =	shalt  }
0x3e: {  	_ =	shalt  }
0x3f: {  	_ =	shalt  }
0x40: {  	_ =	shalt  }
0x41: {  	_ =	shalt  }
0x42: {  	_ =	shalt  }
0x43: {  	_ =	shalt  }
0x44: {  	_ =	shalt  }
0x45: {  	_ =	shalt  }
0x46: {  	_ =	shalt  }
0x47: {  	_ =	shalt  }
0x48: {  	_ =	shalt  }
0x49: {  	_ =	shalt  }
0x4a: {  	_ =	shalt  }
0x4b: {  	_ =	shalt  }
0x4c: {  	_ =	shalt  }
0x4d: {  	_ =	shalt  }
0x4e: {  	_ =	shalt  }
0x4f: {  	_ =	shalt  }
0x50: {  	_ =	shalt  }
0x51: {  	_ =	shalt  }
0x52: {  	_ =	shalt  }
0x53: {  	_ =	shalt  }
0x54: {  	_ =	shalt  }
0x55: {  	_ =	shalt  }
0x56: {  	_ =	shalt  }
0x57: {  	_ =	shalt  }
0x58: {  	_ =	shalt  }
0x59: {  	_ =	shalt  }
0x5a: {  	_ =	shalt  }
0x5b: {  	_ =	shalt  }
0x5c: {  	_ =	shalt  }
0x5d: {  	_ =	shalt  }
0x5e: {  	_ =	shalt  }
0x5f: {  	_ =	shalt  }
0x60: {  	_ =	shalt  }
0x61: {  	_ =	shalt  }
0x62: {  	_ =	shalt  }
0x63: {  	_ =	shalt  }
0x64: {  	_ =	shalt  }
0x65: {  	_ =	shalt  }
0x66: {  	_ =	shalt  }
0x67: {  	_ =	shalt  }
0x68: {  	_ =	shalt  }
0x69: {  	_ =	shalt  }
0x6a: {  	_ =	shalt  }
0x6b: {  	_ =	shalt  }
0x6c: {  	_ =	shalt  }
0x6d: {  	_ =	shalt  }
0x6e: {  	_ =	shalt  }
0x6f: {  	_ =	shalt  }
0x70: {  	_ =	shalt  }
0x71: {  	_ =	shalt  }
0x72: {  	_ =	shalt  }
0x73: {  	_ =	shalt  }
0x74: {  	_ =	shalt  }
0x75: {  	_ =	shalt  }
0x76: {  	_ =	shalt  }
0x77: {  	_ =	shalt  }
0x78: {  	_ =	shalt  }
0x79: {  	_ =	shalt  }
0x7a: {  	_ =	shalt  }
0x7b: {  	_ =	shalt  }
0x7c: {  	_ =	shalt  }
0x7d: {  	_ =	shalt  }
0x7e: {  	_ =	shalt  }
0x7f: {  	_ =	shalt  }
0x80: {  	_ =	shalt  }
0x81: {  	_ =	shalt  }
0x82: {  	_ =	shalt  }
0x83: {  	_ =	shalt  }
0x84: {  	_ =	shalt  }
0x85: {  	_ =	shalt  }
0x86: {  	_ =	shalt  }
0x87: {  	_ =	shalt  }
.Lfunc_end0:
.L_simem_size_0:
called_computation_lowered:
.L_overlay_start_0:
0x88: {  	s2 =	sld [smem:$0x3FD9]  }
0x89: {  	s3 =	sld [smem:$0x3FFE];
	_ =	sdelay $0x1  }
0x8a: {  	s1 =	srdreg.scid  }
0x8b: {  	s0 =	sand.u32 $0x1, s1  }
0x8c: {  	s16 =	sshll.u32 s0, $0xA;
	s2 =	sadd.s32 s3, s2  }
0x8d: {  	s2 =	sadd.s32 s2, s16  }
0x8e: {  	[smem:$0x3FBB] =	sst s2  }
0x8f: {  	_ = 	snop  }
0x90: {  	(tm) =	ssettm $0x1  }
0x91: {  	s17 =	sld [smem:$0x3FFB];
	_ =	sdelay $0x3  }
0x92: {  	_ =	strace s17  }
0x93: {  	s2 =	sld [smem:$0x3FFC];
	_ =	sdelay $0x3  }
0x94: {  	_ =	strace s2  }
0x95: {  	s2 =	sld [smem:$0x3FFD];
	_ =	sdelay $0x3  }
0x96: {  	_ =	strace s2  }
0x97: {  	_ =	strace $0x8FFFFFFF  }
0x98: {  	s18 =	sld [smem:$0x3FDB];
	_ =	sdelay $0x1  }
0x99: {  	s19 =	simm.s32 $_scs_section_size  }
0x9a: {  	s4 =	simm.s32 $_size__tile_overlayer_lowered;
	s5 =	simm.s32 $_tile_overlayer_lowered  }
0x9b: {  	s22 =	simm.s32 $0x1BFF;
	s21 =	sshll.u32 s5, $0x1;
	s2 =	sadd.s32 s19, s18  }
0x9c: {  	s6 =	simm.s32 $0x0;
	s20 =	sshll.u32 s4, $0x1;
	s4 =	sadd.s32 s21, s2  }
0x9d: {  	[timem:s6], [sflag:s22] =	dma.local [hbm:s4], s20  }
0x9e: {  	_ =	swait.ge [sflag:s22], s20  }
0x9f: {  	s3 =	ssub.s32 $0x0, s20;
	[sflag:s22] =	ssyncset.done $0x0  }
0xa0: {  	[sflag:s22] =	ssyncadd.s32 s3;
	_ =	sdelay $0x1  }
0xa1: {  	s23 =	simm.s32 $0x1B8B  }
0xa2: {  	_ =	swait.ge [sflag:s23], $0x1  }
0xa3: {  	[sflag:s23] =	ssyncset.done $0x0  }
0xa4: {  	s25 =	simm.s32 $0x1B8E;
	s24 =	sld [smem:$0x3FFE];
	[sflag:s23] =	ssyncadd.s32 $0xFFFFFFFF  }
0xa5: {  	s26 =	simm.s32 $execute0_lowered;
	[smem:$0x3FD2] =	sst s25  }
0xa6: {  	s4 =	sshll.u32 s26, $0x1;
	_ =	strace $0x80000046;
	[dreg:$0x1] =	wrdreg $0xFFFFFFFF  }
0xa7: {  	s28 =	simm.s32 $_size_execute0_lowered;
	s2 =	sadd.s32 s2, s4;
	[dreg:$0x0] =	wrdreg $0x0  }
0xa8: {  	s4 =	sshll.u32 s28, $0x1;
	[dreg:$0x2] =	wrdreg s2  }
0xa9: {  	[dreg:$0x3] =	wrdreg s4  }
0xaa: {  	[dreg:$0x4] =	wrdreg $0xC0  }
0xab: {  	_ =	task [dreg:s6], $0x5FFFF  }
0xac: {  	[dreg:$0x1] =	wrdreg $0xFFFFFFFF  }
0xad: {  	[dreg:$0x0] =	wrdreg $0x60  }
0xae: {  	[dreg:$0x2] =	wrdreg s24  }
0xaf: {  	[dreg:$0x3] =	wrdreg $0x0  }
0xb0: {  	[dreg:$0x4] =	wrdreg $0x27800  }
0xb1: {  	[dreg:$0x5] =	wrdreg $0x9  }
0xb2: {  	_ =	task.clear_ibuf [dreg:s6], $0x6FFFF;
	_ =	strace $0x90000046  }
0xb3: {  	s29 =	simm.s32 $0x9;
	_ =	strace $0x80000048  }
0xb4: {  	_ =	swait.ge [sflag:s29], $0x1  }
0xb5: {  	[sflag:s29] =	ssyncadd.s32 $0xFFFFFFFF  }
0xb6: {  	_ =	strace $0x90000048  }
0xb7: {  	_ =	sfence  }
0xb8: {  	s30 =	sld [smem:$0x0];
	_ =	sdelay $0x2  }
0xb9: {  	s31 =	sshll.u32 s1, $0xD;
	s1 =	sshrl.u32 s1, $0x2  }
0xba: {  	s3 =	sand.u32 $0x4000, s31;
	s1 =	sadd.s32 s1, s30  }
0xbb: {  	s0 =	sor.u32 s3, s0;
	s1 =	sshll.u32 s1, $0x11  }
0xbc: {  	s0 =	sor.u32 s1, s0  }
0xbd: {  	s0 =	sadd.s32 $0x8F2B, s0  }
0xbe: {  	[sflag:s0] =	ssyncadd.remote.s32 $0x1  }
0xbf: {  	_ =	sfence.sel $0xFFFF  }
0xc0: {  	[dreg:$0x0] =	wrdreg $0xFFFFFFFF;
	(pc) =	sbr.abs _section_cstart, $3  }
0xc1: {  	[dreg:$0x1] =	wrdreg $0xFFFFFFFF  }
0xc2: {  	_ =	task.clear_ibuf [dreg:s6], $0x2FFFF;
	_ =	strace $0x9FFFFFFF  }
0xc3: {  	(tm) =	ssettm $0x7FFFFFFF  }
tec
execute0_lowered:
.L_overlay_start_1:
0x0: {  	(tag) =	ssettag $0x1  }
0x1: {  	s8 =	rddreg [dreg:$0x0]  }
0x2: {  	s1 =	srdreg.scid;
	s2 =	rddreg [dreg:$0x1]  }
0x3: {  	s0 =	stileid.u32;
	s3 =	rddreg [dreg:$0x2]  }
0x4: {  	s4 =	simm.s32 $0x0;
	s18 =	simm.s32 $0x5200;
	s9 =	smul.u32 $0x2780, s0  }
0x5: {  	s19 =	simm.s32 $0x80;
	s7 =	sand.u32 $0x1, s1;
	s11 =	smul.u32 $0x180, s0  }
0x6: {  	s20 =	simm.s32 $0x5100;
	s30 =	sshll.u32 s0, $0x1;
	s10 =	smul.u32 $0x27800, s7  }
0x7: {  	s21 =	simm.s32 $0x5180;
	s1 =	sor.u32 s7, s30;
	s14 =	smul.u32 $0x1800, s7  }
0x8: {  	s22 =	simm.s32 $0x0;
	[smem:$0x7FF] =	sst s4;
	s5 =	smul.u32 $0x4F0, s1  }
0x9: {  	s31 =	sshll.u32 s0, $0x6;
	s7 =	ssub.s32 $0x2, s7;
	s6 =	smul.u32 $0x30, s1  }
0xa: {  	s1 =	rddreg [dreg:$0x3];
	_ =	strace $0x80000047;
	s15 =	sshrl.u32 s7, $0x1  }
0xb: {  	s16 =	sadd.s32 s9, s2;
	s17 =	sadd.s32 s11, s3;
	s10 =	sadd.s32 s9, s10  }
0xc: {  	s14 =	sadd.s32 s11, s14;
	s15 =	ssub.s32 s7, s15;
	s7 =	sor.u32 $0x1C01, s31  }
0xd: {  	s12 =	sadd.s32 s5, s8;
	s13 =	sadd.s32 s6, s8;
	s5 =	sadd.s32 $0xDE00, s8  }
0xe: {  	s6 =	sadd.s32 $0xD800, s8;
	s10 =	sshrl.u32 s10, $0x3;
	s14 =	sshrl.u32 s14, $0x3  }
0xf: {  	s10 =	sadd.s32 s10, s8;
	s14 =	sadd.s32 s14, s8;
	s8 =	sadd.s32 $0x3400, s12  }
0x10: {  	s9 =	sadd.s32 $0xD200, s13;
	s12 =	smax.u32 s15, $0x1;
	s13 =	sshrl.u32 s16, $0x3  }
0x11: {  	s15 =	sshrl.u32 s17, $0x3;
	s16 =	simm.s32 $0x2900;
	s17 =	simm.s32 $0x5080  }
0x12: {  	s10 =	sadd.s32 $0xE000, s10;
	s11 =	sadd.s32 $0x17E00, s14;
	s14 =	simm.s32 $0x1  }
.LBB2_1:
0x13: {  	[spmem:s13], [sflag:s7] =	dma.local [hbm:s6], $0x4F0  }
0x14: {  	_ =	swait.ge [sflag:s14], $0x4F0  }
0x15: {  	[sflag:s14] =	ssyncset.done $0x0  }
0x16: {  	[sflag:s14] =	ssyncadd.s32 $0xFFFFFB10  }
0x17: {  	[spmem:s15], [sflag:s7] =	dma.local [hbm:s6], $0x30  }
0x18: {  	_ =	swait.ge [sflag:s14], $0x30  }
0x19: {  	[sflag:s14] =	ssyncset.done $0x0  }
0x1a: {  	[sflag:s14] =	ssyncadd.s32 $0xFFFFFFD0  }
0x1b: {  	[tilespmem:s16], [sflag:$0x1] =	stream.linear.gather [hbm4b:s8+s4], $0x2780, $0x38;
	[tilespmem:$0x5A00] =	vst v63  }
0x1c: {  	_ =	swait.ge [sflag:s14], $0x2780  }
0x1d: {  	[sflag:s14] =	ssyncset.done $0x0  }
0x1e: {  	[sflag:s14] =	ssyncadd.s32 $0xFFFFD880  }
0x1f: {  	[tilespmem:s17], [sflag:$0x1] =	stream.linear.gather [hbm4b:s9+s4], $0x180, $0x38;
	[tilespmem:$0x5A00] =	vst v63  }
0x20: {  	_ =	swait.ge [sflag:s14], $0x180  }
0x21: {  	[sflag:s14] =	ssyncset.done $0x0  }
0x22: {  	[sflag:s14] =	ssyncadd.s32 $0xFFFFFE80  }
0x23: {  	[tilespmem:s18], [sflag:$0x1] =	stream.linear.gather [hbm4b:s5+s4], $0x800, $0x38;
	[tilespmem:$0x5A00] =	vst v63  }
0x24: {  	_ =	swait.ge [sflag:s14], $0x800  }
0x25: {  	[sflag:s14] =	ssyncset.done $0x0  }
0x26: {  	[sflag:s14] =	ssyncadd.s32 $0xFFFFF800  }
0x27: {  	s23 =	simm.s32 $0x2900;
	[bflag:$0x0] =	sbarrier.arrive $0xFFFF  }
0x28: {  	[spmem:s2] =	stream.indirect.scatter.add.f32 [tilespmem:s18], [sflag:$0x1], $0x10, s23, s19, $0xb8;
	[tilespmem:$0x5A00] =	vst v63  }
0x29: {  	s23 =	simm.s32 $0x200;
	_ =	swait.ge [sflag:s14], $0x800  }
.LBB2_2:
0x2a: {  	s24 =	sshra.s32 s23, $0x2;
	[sflag:s14] =	ssyncset.done $0x0;
	p0 =	sne.s32 s23, $0x9C00  }
.Ltmp0:
0x2b: {  	s24 =	sadd.s32 $0x2900, s24;
	[sflag:s14] =	ssyncadd.s32 $0xFFFFF800;
	(pc) =	sbr.rel @p0 .LBB2_2-.Ltmp0, $3  }
0x2c: {  	[spmem:s2] =	stream.indirect.scatter.add.f32 [tilespmem:s18], [sflag:$0x1], $0x10, s24, s19, $0xb8;
	[tilespmem:$0x5A00] =	vst v63  }
0x2d: {  	s23 =	sadd.s32 $0x200, s23;
	_ =	sdelay $0x1  }
0x2e: {  	_ =	swait.ge [sflag:s14], $0x800  }
0x2f: {  	[sflag:s14] =	ssyncset.done $0x0  }
0x30: {  	[sflag:s14] =	ssyncadd.s32 $0xFFFFF800  }
0x31: {  	[spmem:s3] =	stream.indirect.scatter.add.f32 [tilespmem:s18], [sflag:$0x1], $0x10, s17, s19, $0xb8;
	[tilespmem:$0x5A00] =	vst v63  }
0x32: {  	_ =	swait.ge [sflag:s14], $0x800  }
0x33: {  	[sflag:s14] =	ssyncset.done $0x0  }
0x34: {  	[sflag:s14] =	ssyncadd.s32 $0xFFFFF800  }
0x35: {  	[spmem:s3] =	stream.indirect.scatter.add.f32 [tilespmem:s18], [sflag:$0x1], $0x10, s20, s19, $0xb8;
	[tilespmem:$0x5A00] =	vst v63  }
0x36: {  	_ =	swait.ge [sflag:s14], $0x800  }
0x37: {  	[sflag:s14] =	ssyncset.done $0x0  }
0x38: {  	[sflag:s14] =	ssyncadd.s32 $0xFFFFF800  }
0x39: {  	[spmem:s3] =	stream.indirect.scatter.add.f32 [tilespmem:s18], [sflag:$0x1], $0x10, s21, s19, $0xb8;
	[tilespmem:$0x5A00] =	vst v63  }
0x3a: {  	_ =	swait.ge [sflag:s14], $0x800  }
0x3b: {  	[sflag:s14] =	ssyncset.done $0x0  }
0x3c: {  	[sflag:s14] =	ssyncadd.s32 $0xFFFFF800  }
0x3d: {  	[bflag:$0x0] =	sbarrier.arrive $0xFFFF  }
0x3e: {  	[hbm:s10], [sflag:s7] =	dma.local [spmem:s13], $0x4F0  }
0x3f: {  	s22 =	sadd.s32 $0x1, s22;
	_ =	swait.ge [sflag:s14], $0x4F0  }
0x40: {  	p0 =	sne.s32 s22, s12;
	[sflag:s14] =	ssyncset.done $0x0  }
.Ltmp1:
0x41: {  	[sflag:s14] =	ssyncadd.s32 $0xFFFFFB10;
	(pc) =	sbr.rel @p0 .LBB2_1-.Ltmp1, $4  }
0x42: {  	[hbm:s11], [sflag:s7] =	dma.local [spmem:s15], $0x30  }
0x43: {  	_ =	swait.ge [sflag:s14], $0x30  }
0x44: {  	[sflag:s14] =	ssyncset.done $0x0  }
0x45: {  	[sflag:s14] =	ssyncadd.s32 $0xFFFFFFD0  }
0x46: {  	_ =	sfence.sel $0x180000  }
0x47: {  	[bflag:$0x0] =	sbarrier.arrive $0xFFFF  }
0x48: {  	p0 =	sne.s32 s0, $0x0;
	_ =	strace $0x90000047  }
0x49: {  	s0 =	sadd.s32 @!p0 $0x100000, s1;
	[bflag:$0x2] =	sbarrier.arrive $0xFFFF  }
0x4a: {  	[sflag:s0] =	ssyncadd.tile.s32 @!p0 $0x1;
	_ =	shalt  }
.Lfunc_end2:
_tile_overlayer_lowered:
.L_overlay_start_2:
0x4b: {  	(tag) =	ssettag $0x2  }
0x4c: {  	s0 =	rddreg [dreg:$0x0];
	s2 =	stileid.u32  }
0x4d: {  	s1 =	rddreg [dreg:$0x1];
	p0 =	sne.s32 s2, $0x0  }
0x4e: {  	s3 =	rddreg [dreg:$0x2];
	[bflag:$0x3] =	sbarrier.arrive $0xFFFF;
	s2 =	simm.s32 @!p0 $0x1C01  }
0x4f: {  	[timem:s3], [sflag:s2] =	dma.local @!p0 [hbm:s0], s1  }
0x50: {  	s0 =	simm.s32 @!p0 $0x1  }
0x51: {  	_ =	swait.ge @!p0 [sflag:s0], s1  }
0x52: {  	s1 =	ssub.s32 @!p0 $0x0, s1;
	[sflag:s0] =	ssyncset.done @!p0 $0x0  }
0x53: {  	[sflag:s0] =	ssyncadd.s32 @!p0 s1  }
0x54: {  	[bflag:$0x3] =	sbarrier.arrive $0xFFFF  }
0x55: {  	_ =	shalt  }

// kernel: kernel.15.cloned.1.call-start
scs
__scs_entry_jumppad:
0x0: {  	(pc) =	sbr.rel $0x88, $3  }
0x1: {  	(tag) =	ssettag $0x0;
	lr =	simm.s32 $0x1  }
0x2: {  	[smem:$0x3F94] =	sst lr;
	_ =	strace $0xD0000000  }
0x3: {  	_ = 	snop  }
0x4: {  	_ = 	snop  }
0x5: {  	_ = 	snop  }
0x6: {  	_ = 	snop  }
0x7: {  	_ = 	snop  }
__scs_overlays_trampoline_lowered:
0x8: {  	[smem:$0x3FA3] =	sst s0  }
0x9: {  	[smem:$0x3FA4] =	sst s1  }
0xa: {  	[smem:$0x3FA5] =	sst s2  }
0xb: {  	[smem:$0x3FA6] =	sst s3  }
0xc: {  	[smem:$0x3FA7] =	sst s4  }
0xd: {  	[smem:$0x3FA8] =	sst s5  }
0xe: {  	[smem:$0x3FA9] =	sst s6  }
0xf: {  	[smem:$0x3FAA] =	sst s7  }
0x10: {  	[smem:$0x3FAB] =	sst s8  }
0x11: {  	[smem:$0x3FAC] =	sst s9;
	s0 =	simm.s32 @!p0 $0x0  }
0x12: {  	s1 =	sld [smem:$0x3F92];
	s0 =	simm.s32 @p0 $0x1  }
0x13: {  	[smem:$0x3FAD] =	sst s0;
	s0 =	simm.s32 @!p1 $0x0  }
0x14: {  	s2 =	sld [smem:$0x3F91];
	s0 =	simm.s32 @p1 $0x1  }
0x15: {  	[smem:$0x3FAE] =	sst s0;
	s0 =	simm.s32 @!p2 $0x0  }
0x16: {  	s3 =	sld [smem:$0x3FDB];
	s0 =	simm.s32 @p2 $0x1  }
0x17: {  	s4 =	simm.s32 $0x1BF5;
	[smem:$0x3FB0] =	sst s0  }
0x18: {  	s0 =	sld [smem:$0x3F93];
	_ =	swait.ge [sflag:s4], $0x0  }
0x19: {  	s7 =	sld [smem:$0x3F94]  }
0x1a: {  	s8 =	sadd.s32 $0xFFFFE003, lr  }
0x1b: {  	s9 =	sadd.s32 $0xFFFFFEF7, lr;
	s5 =	simm.s32 $0xFFFFFFFF;
	p2 =	slt.u32 s8, $0xFFFFF086  }
0x1c: {  	p1 =	slt.u32 s9, $0xF7A;
	s5 =	simm.s32 @!p2 $0x0  }
0x1d: {  	s5 =	simm.s32 @p1 $0x1;
	p0 =	seq.s32 s7, s2  }
0x1e: {  	s7 =	smul.u32 @!p0 $0xF7A, s2;
	p2 =	seq.s32 @!p0 s5, $0x0  }
0x1f: {  	s9 =	smul.u32 $0xF7A, s1;
	s8 =	simm.s32 @!p0 $0x1BF5;
	p2 =	por !p2, p0  }
0x20: {  	[sflag:s8] =	ssyncset.s32 @!p0 $0xFFFFF086;
	s6 =	sadd.s32 @!p0 s3, s7;
	s7 =	simm.s32 @!p0 $0x108  }
0x21: {  	s3 =	sadd.s32 s3, s9;
	s6 =	sadd.s32 @!p0 $0x88, s6;
	s7 =	simm.s32 @p2 $0x1082  }
0x22: {  	[simem:s7], [sflag:s8] =	dma.local @!p0 [hbm:s6], $0xF7A  }
0x23: {  	s9 =	sor.u32 $0xD0000000, s2;
	s6 =	simm.s32 $0x108;
	_ =	swait.ge @!p0 [sflag:s8], $0x0  }
0x24: {  	s3 =	sadd.s32 $0x88, s3;
	s6 =	simm.s32 @!p1 $0x1082;
	[sflag:s4] =	ssyncset.s32 $0xFFFFF086  }
0x25: {  	[simem:s6], [sflag:s4] =	dma.local [hbm:s3], $0xF7A  }
0x26: {  	[smem:$0x3F94] =	sst s1;
	(tag) =	ssettag s2;
	_ =	strace s9  }
0x27: {  	s1 =	sld [smem:$0x3FA4]  }
0x28: {  	s2 =	sld [smem:$0x3FA5]  }
0x29: {  	s4 =	sld [smem:$0x3FA7]  }
0x2a: {  	p0 =	seq.s32 s5, $0x0;
	s5 =	sld [smem:$0x3FA8]  }
0x2b: {  	s6 =	sld [smem:$0x3FA9]  }
0x2c: {  	s7 =	sld [smem:$0x3FAA]  }
0x2d: {  	s3 =	simm.s32 $0x108;
	s8 =	sld [smem:$0x3FAB]  }
0x2e: {  	s3 =	simm.s32 @!p0 $0x1082;
	s9 =	sld [smem:$0x3FAC]  }
0x2f: {  	lr =	sadd.s32 s0, s3;
	s0 =	sld [smem:$0x3FA3]  }
0x30: {  	s3 =	sld [smem:$0x3FA6]  }
0x31: {  	[smem:$0x3FAF] =	sst s10  }
0x32: {  	s10 =	sld [smem:$0x3FAD];
	_ =	sdelay $0x3  }
0x33: {  	p0 =	seq.s32 s10, $0x1;
	s10 =	sld [smem:$0x3FAF];
	_ =	sdelay $0x3  }
0x34: {  	[smem:$0x3FAF] =	sst s10  }
0x35: {  	s10 =	sld [smem:$0x3FAE];
	_ =	sdelay $0x3  }
0x36: {  	p1 =	seq.s32 s10, $0x1;
	s10 =	sld [smem:$0x3FAF];
	_ =	sdelay $0x3  }
0x37: {  	[smem:$0x3FAF] =	sst s10  }
0x38: {  	s10 =	sld [smem:$0x3FB0]  }
0x39: {  	_ = 	snop;
	(pc) =	sbr.ind lr, $3  }
0x3a: {  	_ = 	snop  }
0x3b: {  	_ = 	snop  }
0x3c: {  	p2 =	seq.s32 s10, $0x1;
	s10 =	sld [smem:$0x3FAF]  }
0x3d: {  	_ =	shalt  }
0x3e: {  	_ =	shalt  }
0x3f: {  	_ =	shalt  }
0x40: {  	_ =	shalt  }
0x41: {  	_ =	shalt  }
0x42: {  	_ =	shalt  }
0x43: {  	_ =	shalt  }
0x44: {  	_ =	shalt  }
0x45: {  	_ =	shalt  }
0x46: {  	_ =	shalt  }
0x47: {  	_ =	shalt  }
0x48: {  	_ =	shalt  }
0x49: {  	_ =	shalt  }
0x4a: {  	_ =	shalt  }
0x4b: {  	_ =	shalt  }
0x4c: {  	_ =	shalt  }
0x4d: {  	_ =	shalt  }
0x4e: {  	_ =	shalt  }
0x4f: {  	_ =	shalt  }
0x50: {  	_ =	shalt  }
0x51: {  	_ =	shalt  }
0x52: {  	_ =	shalt  }
0x53: {  	_ =	shalt  }
0x54: {  	_ =	shalt  }
0x55: {  	_ =	shalt  }
0x56: {  	_ =	shalt  }
0x57: {  	_ =	shalt  }
0x58: {  	_ =	shalt  }
0x59: {  	_ =	shalt  }
0x5a: {  	_ =	shalt  }
0x5b: {  	_ =	shalt  }
0x5c: {  	_ =	shalt  }
0x5d: {  	_ =	shalt  }
0x5e: {  	_ =	shalt  }
0x5f: {  	_ =	shalt  }
0x60: {  	_ =	shalt  }
0x61: {  	_ =	shalt  }
0x62: {  	_ =	shalt  }
0x63: {  	_ =	shalt  }
0x64: {  	_ =	shalt  }
0x65: {  	_ =	shalt  }
0x66: {  	_ =	shalt  }
0x67: {  	_ =	shalt  }
0x68: {  	_ =	shalt  }
0x69: {  	_ =	shalt  }
0x6a: {  	_ =	shalt  }
0x6b: {  	_ =	shalt  }
0x6c: {  	_ =	shalt  }
0x6d: {  	_ =	shalt  }
0x6e: {  	_ =	shalt  }
0x6f: {  	_ =	shalt  }
0x70: {  	_ =	shalt  }
0x71: {  	_ =	shalt  }
0x72: {  	_ =	shalt  }
0x73: {  	_ =	shalt  }
0x74: {  	_ =	shalt  }
0x75: {  	_ =	shalt  }
0x76: {  	_ =	shalt  }
0x77: {  	_ =	shalt  }
0x78: {  	_ =	shalt  }
0x79: {  	_ =	shalt  }
0x7a: {  	_ =	shalt  }
0x7b: {  	_ =	shalt  }
0x7c: {  	_ =	shalt  }
0x7d: {  	_ =	shalt  }
0x7e: {  	_ =	shalt  }
0x7f: {  	_ =	shalt  }
0x80: {  	_ =	shalt  }
0x81: {  	_ =	shalt  }
0x82: {  	_ =	shalt  }
0x83: {  	_ =	shalt  }
0x84: {  	_ =	shalt  }
0x85: {  	_ =	shalt  }
0x86: {  	_ =	shalt  }
0x87: {  	_ =	shalt  }
.Lfunc_end0:
.L_simem_size_0:
called_computation.1_lowered:
.L_overlay_start_0:
0x88: {  	s2 =	sld [smem:$0x3FD9]  }
0x89: {  	s3 =	sld [smem:$0x3FFE];
	_ =	sdelay $0x1  }
0x8a: {  	s1 =	srdreg.scid  }
0x8b: {  	s0 =	sand.u32 $0x1, s1  }
0x8c: {  	s16 =	sshll.u32 s0, $0xA;
	s2 =	sadd.s32 s3, s2  }
0x8d: {  	s2 =	sadd.s32 s2, s16  }
0x8e: {  	[smem:$0x3FBB] =	sst s2  }
0x8f: {  	_ = 	snop  }
0x90: {  	(tm) =	ssettm $0x1  }
0x91: {  	s17 =	sld [smem:$0x3FFB];
	_ =	sdelay $0x3  }
0x92: {  	_ =	strace s17  }
0x93: {  	s2 =	sld [smem:$0x3FFC];
	_ =	sdelay $0x3  }
0x94: {  	_ =	strace s2  }
0x95: {  	s2 =	sld [smem:$0x3FFD];
	_ =	sdelay $0x3  }
0x96: {  	_ =	strace s2  }
0x97: {  	_ =	strace $0x8FFFFFFF  }
0x98: {  	s18 =	sld [smem:$0x3FDB];
	_ =	sdelay $0x1  }
0x99: {  	s19 =	simm.s32 $_scs_section_size  }
0x9a: {  	s4 =	simm.s32 $_size__tile_overlayer_lowered;
	s5 =	simm.s32 $_tile_overlayer_lowered  }
0x9b: {  	s22 =	simm.s32 $0x1BFF;
	s21 =	sshll.u32 s5, $0x1;
	s2 =	sadd.s32 s19, s18  }
0x9c: {  	s6 =	simm.s32 $0x0;
	s20 =	sshll.u32 s4, $0x1;
	s4 =	sadd.s32 s21, s2  }
0x9d: {  	[timem:s6], [sflag:s22] =	dma.local [hbm:s4], s20  }
0x9e: {  	_ =	swait.ge [sflag:s22], s20  }
0x9f: {  	s3 =	ssub.s32 $0x0, s20;
	[sflag:s22] =	ssyncset.done $0x0  }
0xa0: {  	[sflag:s22] =	ssyncadd.s32 s3;
	_ =	sdelay $0x1  }
0xa1: {  	s23 =	simm.s32 $0x1B8B  }
0xa2: {  	_ =	swait.ge [sflag:s23], $0x1  }
0xa3: {  	[sflag:s23] =	ssyncset.done $0x0  }
0xa4: {  	s25 =	simm.s32 $0x1B8E;
	s24 =	sld [smem:$0x3FFE];
	[sflag:s23] =	ssyncadd.s32 $0xFFFFFFFF  }
0xa5: {  	s26 =	simm.s32 $execute0_lowered;
	[smem:$0x3FD2] =	sst s25  }
0xa6: {  	s4 =	sshll.u32 s26, $0x1;
	_ =	strace $0x80000049;
	[dreg:$0x1] =	wrdreg $0xFFFFFFFF  }
0xa7: {  	s28 =	simm.s32 $_size_execute0_lowered;
	s2 =	sadd.s32 s2, s4;
	[dreg:$0x0] =	wrdreg $0x0  }
0xa8: {  	s4 =	sshll.u32 s28, $0x1;
	[dreg:$0x2] =	wrdreg s2  }
0xa9: {  	[dreg:$0x3] =	wrdreg s4  }
0xaa: {  	[dreg:$0x4] =	wrdreg $0xC0  }
0xab: {  	_ =	task [dreg:s6], $0x5FFFF  }
0xac: {  	[dreg:$0x1] =	wrdreg $0xFFFFFFFF  }
0xad: {  	[dreg:$0x0] =	wrdreg $0x60  }
0xae: {  	[dreg:$0x2] =	wrdreg s24  }
0xaf: {  	[dreg:$0x3] =	wrdreg $0x0  }
0xb0: {  	[dreg:$0x4] =	wrdreg $0x9  }
0xb1: {  	_ =	task.clear_ibuf [dreg:s6], $0x5FFFF;
	_ =	strace $0x90000049  }
0xb2: {  	s29 =	simm.s32 $0x9;
	_ =	strace $0x8000004B  }
0xb3: {  	_ =	swait.ge [sflag:s29], $0x1  }
0xb4: {  	[sflag:s29] =	ssyncadd.s32 $0xFFFFFFFF  }
0xb5: {  	_ =	strace $0x9000004B  }
0xb6: {  	_ =	sfence  }
0xb7: {  	s30 =	sld [smem:$0x0];
	_ =	sdelay $0x2  }
0xb8: {  	s31 =	sshll.u32 s1, $0xD;
	s1 =	sshrl.u32 s1, $0x2  }
0xb9: {  	s3 =	sand.u32 $0x4000, s31;
	s1 =	sadd.s32 s1, s30  }
0xba: {  	s0 =	sor.u32 s3, s0;
	s1 =	sshll.u32 s1, $0x11  }
0xbb: {  	s0 =	sor.u32 s1, s0  }
0xbc: {  	s0 =	sadd.s32 $0x8F2B, s0  }
0xbd: {  	[sflag:s0] =	ssyncadd.remote.s32 $0x1  }
0xbe: {  	_ =	sfence.sel $0xFFFF  }
0xbf: {  	[dreg:$0x0] =	wrdreg $0xFFFFFFFF;
	(pc) =	sbr.abs _section_cstart, $3  }
0xc0: {  	[dreg:$0x1] =	wrdreg $0xFFFFFFFF  }
0xc1: {  	_ =	task.clear_ibuf [dreg:s6], $0x2FFFF;
	_ =	strace $0x9FFFFFFF  }
0xc2: {  	(tm) =	ssettm $0x7FFFFFFF  }
0xc3: {  	_ =	shalt  }
tec
execute0_lowered:
.L_overlay_start_1:
0x0: {  	(tag) =	ssettag $0x1  }
0x1: {  	s6 =	rddreg [dreg:$0x0]  }
0x2: {  	s2 =	rddreg [dreg:$0x1]  }
0x3: {  	s0 =	rddreg [dreg:$0x2];
	s3 =	srdreg.scid  }
0x4: {  	s1 =	stileid.u32;
	s13 =	simm.s32 $0x9E00;
	s14 =	simm.s32 $0xC580  }
0x5: {  	s15 =	simm.s32 $0x80;
	s16 =	simm.s32 $0xED00;
	s17 =	simm.s32 $0x0  }
0x6: {  	s5 =	sand.u32 $0x1, s3;
	s4 =	sshll.u32 s1, $0x1;
	s7 =	smul.u32 $0x9E00, s1  }
0x7: {  	s3 =	simm.s32 $0x0;
	s31 =	sshll.u32 s1, $0x6;
	s4 =	sor.u32 s5, s4  }
0x8: {  	s8 =	smul.u32 $0x9E000, s5;
	[smem:$0x7FF] =	sst s3;
	s10 =	ssub.s32 $0x2, s5  }
0x9: {  	s5 =	sadd.s32 $0xD800, s6;
	s9 =	smul.u32 $0x4F0, s4;
	_ =	strace $0x8000004A  }
0xa: {  	s4 =	sadd.s32 $0x98400, s6;
	s30 =	sshrl.u32 s10, $0x1;
	s8 =	sadd.s32 s7, s8  }
0xb: {  	s12 =	sadd.s32 s7, s2;
	s10 =	ssub.s32 s10, s30;
	s8 =	sshrl.u32 s8, $0x3  }
0xc: {  	s9 =	sadd.s32 s9, s6;
	s10 =	smax.u32 s10, $0x1;
	s11 =	sadd.s32 s8, s6  }
0xd: {  	s6 =	sor.u32 $0x1C01, s31;
	s7 =	sadd.s32 $0x18400, s9;
	s8 =	sadd.s32 $0x3400, s9  }
0xe: {  	s9 =	sadd.s32 $0xABE00, s11;
	s11 =	sshrl.u32 s12, $0x3;
	s12 =	simm.s32 $0x1  }
.LBB2_1:
0xf: {  	[spmem:s11], [sflag:s6] =	dma.local [hbm:s5], $0x13C0  }
0x10: {  	_ =	swait.ge [sflag:s12], $0x13C0  }
0x11: {  	[sflag:s12] =	ssyncset.done $0x0  }
0x12: {  	[sflag:s12] =	ssyncadd.s32 $0xFFFFEC40  }
0x13: {  	[tilespmem:s13], [sflag:$0x1] =	stream.linear.gather [hbm4b:s7+s3], $0x2780, $0x38;
	[tilespmem:$0x10D00] =	vst v63  }
0x14: {  	_ =	swait.ge [sflag:s12], $0x2780  }
0x15: {  	[sflag:s12] =	ssyncset.done $0x0  }
0x16: {  	[sflag:s12] =	ssyncadd.s32 $0xFFFFD880  }
0x17: {  	[tilespmem:s14], [sflag:$0x1] =	stream.linear.gather [hbm4b:s8+s3], $0x2780, $0x38;
	[tilespmem:$0x10D00] =	vst v63  }
0x18: {  	_ =	swait.ge [sflag:s12], $0x2780  }
0x19: {  	[sflag:s12] =	ssyncset.done $0x0  }
0x1a: {  	[sflag:s12] =	ssyncadd.s32 $0xFFFFD880  }
0x1b: {  	s18 =	simm.s32 $0x9E00;
	[bflag:$0x0] =	sbarrier.arrive $0xFFFF  }
0x1c: {  	[tilespmem:s16], [sflag:$0x1] =	stream.indirect.gather [hbm4b:s4+s15], $0x40, s18, s15, $0xb8;
	[tilespmem:$0x10D00] =	vst v63  }
0x1d: {  	_ =	swait.ge [sflag:s12], $0x2000  }
0x1e: {  	[sflag:s12] =	ssyncset.done $0x0  }
0x1f: {  	s31 =	simm.s32 $0xC580;
	[sflag:s12] =	ssyncadd.s32 $0xFFFFE000  }
0x20: {  	[spmem:s2] =	stream.indirect.scatter.add.f32 [tilespmem:s16], [sflag:$0x1], $0x40, s31, s15, $0xb8;
	[tilespmem:$0x10D00] =	vst v63  }
0x21: {  	_ =	swait.ge [sflag:s12], $0x2000  }
0x22: {  	s19 =	simm.s32 $0x400;
	s18 =	simm.s32 $0x80;
	[sflag:s12] =	ssyncset.done $0x0  }
.LBB2_2:
0x23: {  	s20 =	sadd.s32 $0x9E00, s18  }
0x24: {  	[sflag:s12] =	ssyncadd.s32 $0xFFFFE000;
	s21 =	smov.u32 s19;
	s22 =	sadd.s32 $0x200, s19  }
0x25: {  	[tilespmem:s16], [sflag:$0x1] =	stream.indirect.gather [hbm4b:s4+s15], $0x40, s20, s15, $0xb8;
	[tilespmem:$0x10D00] =	vst v63  }
0x26: {  	p0 =	sne.s32 s19, $0x9C00;
	_ =	swait.ge [sflag:s12], $0x2000  }
.Ltmp0:
0x27: {  	[sflag:s12] =	ssyncset.done $0x0;
	(pc) =	sbr.rel @p0 .LBB2_2-.Ltmp0, $4  }
0x28: {  	s18 =	sadd.s32 $0xC580, s18;
	[sflag:s12] =	ssyncadd.s32 $0xFFFFE000  }
0x29: {  	[spmem:s2] =	stream.indirect.scatter.add.f32 [tilespmem:s16], [sflag:$0x1], $0x40, s18, s15, $0xb8;
	[tilespmem:$0x10D00] =	vst v63  }
0x2a: {  	_ =	swait.ge [sflag:s12], $0x2000  }
0x2b: {  	s19 =	smov.u32 s22;
	s18 =	sshra.s32 s21, $0x2;
	[sflag:s12] =	ssyncset.done $0x0  }
0x2c: {  	s19 =	sadd.s32 $0x9E00, s18;
	[sflag:s12] =	ssyncadd.s32 $0xFFFFE000  }
0x2d: {  	[tilespmem:s16], [sflag:$0x1] =	stream.indirect.gather [hbm4b:s4+s15], $0x40, s19, s15, $0xb8;
	[tilespmem:$0x10D00] =	vst v63  }
0x2e: {  	_ =	swait.ge [sflag:s12], $0x2000  }
0x2f: {  	[sflag:s12] =	ssyncset.done $0x0  }
0x30: {  	s31 =	sadd.s32 $0xC580, s18;
	[sflag:s12] =	ssyncadd.s32 $0xFFFFE000  }
0x31: {  	[spmem:s2] =	stream.indirect.scatter.add.f32 [tilespmem:s16], [sflag:$0x1], $0x40, s31, s15, $0xb8;
	[tilespmem:$0x10D00] =	vst v63  }
0x32: {  	_ =	swait.ge [sflag:s12], $0x2000  }
0x33: {  	s17 =	sadd.s32 $0x1, s17;
	[sflag:s12] =	ssyncset.done $0x0  }
0x34: {  	p0 =	sne.s32 s17, s10;
	[sflag:s12] =	ssyncadd.s32 $0xFFFFE000  }
.Ltmp1:
0x35: {  	[bflag:$0x0] =	sbarrier.arrive $0xFFFF;
	(pc) =	sbr.rel @p0 .LBB2_1-.Ltmp1, $4  }
0x36: {  	[hbm:s9], [sflag:s6] =	dma.local [spmem:s11], $0x13C0  }
0x37: {  	_ =	swait.ge [sflag:s12], $0x13C0  }
0x38: {  	[sflag:s12] =	ssyncset.done $0x0  }
0x39: {  	[sflag:s12] =	ssyncadd.s32 $0xFFFFEC40  }
0x3a: {  	_ =	sfence.sel $0x180000  }
0x3b: {  	[bflag:$0x0] =	sbarrier.arrive $0xFFFF  }
0x3c: {  	p0 =	sne.s32 s1, $0x0;
	_ =	strace $0x9000004A  }
0x3d: {  	s0 =	sadd.s32 @!p0 $0x100000, s0;
	[bflag:$0x2] =	sbarrier.arrive $0xFFFF  }
0x3e: {  	[sflag:s0] =	ssyncadd.tile.s32 @!p0 $0x1;
	_ =	shalt  }
.Lfunc_end2:
_tile_overlayer_lowered:
.L_overlay_start_2:
0x3f: {  	(tag) =	ssettag $0x2  }
0x40: {  	s0 =	rddreg [dreg:$0x0];
	s2 =	stileid.u32  }
0x41: {  	s1 =	rddreg [dreg:$0x1];
	p0 =	sne.s32 s2, $0x0  }
0x42: {  	s3 =	rddreg [dreg:$0x2];
	[bflag:$0x3] =	sbarrier.arrive $0xFFFF;
	s2 =	simm.s32 @!p0 $0x1C01  }
0x43: {  	[timem:s3], [sflag:s2] =	dma.local @!p0 [hbm:s0], s1  }
0x44: {  	s0 =	simm.s32 @!p0 $0x1  }
0x45: {  	_ =	swait.ge @!p0 [sflag:s0], s1  }
0x46: {  	s1 =	ssub.s32 @!p0 $0x0, s1;
	[sflag:s0] =	ssyncset.done @!p0 $0x0  }
0x47: {  	[sflag:s0] =	ssyncadd.s32 @!p0 s1  }
0x48: {  	[bflag:$0x3] =	sbarrier.arrive $0xFFFF  }
0x49: {  	_ =	shalt  }

// kernel: kernel.18.cloned.1.call-start
scs
__scs_entry_jumppad:
0x0: {  	(pc) =	sbr.rel $0x88, $3  }
0x1: {  	(tag) =	ssettag $0x0;
	lr =	simm.s32 $0x1  }
0x2: {  	[smem:$0x3F94] =	sst lr;
	_ =	strace $0xD0000000  }
0x3: {  	_ = 	snop  }
0x4: {  	_ = 	snop  }
0x5: {  	_ = 	snop  }
0x6: {  	_ = 	snop  }
0x7: {  	_ = 	snop  }
__scs_overlays_trampoline_lowered:
0x8: {  	[smem:$0x3FA3] =	sst s0  }
0x9: {  	[smem:$0x3FA4] =	sst s1  }
0xa: {  	[smem:$0x3FA5] =	sst s2  }
0xb: {  	[smem:$0x3FA6] =	sst s3  }
0xc: {  	[smem:$0x3FA7] =	sst s4  }
0xd: {  	[smem:$0x3FA8] =	sst s5  }
0xe: {  	[smem:$0x3FA9] =	sst s6  }
0xf: {  	[smem:$0x3FAA] =	sst s7  }
0x10: {  	[smem:$0x3FAB] =	sst s8  }
0x11: {  	[smem:$0x3FAC] =	sst s9;
	s0 =	simm.s32 @!p0 $0x0  }
0x12: {  	s1 =	sld [smem:$0x3F92];
	s0 =	simm.s32 @p0 $0x1  }
0x13: {  	[smem:$0x3FAD] =	sst s0;
	s0 =	simm.s32 @!p1 $0x0  }
0x14: {  	s2 =	sld [smem:$0x3F91];
	s0 =	simm.s32 @p1 $0x1  }
0x15: {  	[smem:$0x3FAE] =	sst s0;
	s0 =	simm.s32 @!p2 $0x0  }
0x16: {  	s3 =	sld [smem:$0x3FDB];
	s0 =	simm.s32 @p2 $0x1  }
0x17: {  	s4 =	simm.s32 $0x1BF5;
	[smem:$0x3FB0] =	sst s0  }
0x18: {  	s0 =	sld [smem:$0x3F93];
	_ =	swait.ge [sflag:s4], $0x0  }
0x19: {  	s7 =	sld [smem:$0x3F94]  }
0x1a: {  	s8 =	sadd.s32 $0xFFFFE003, lr  }
0x1b: {  	s9 =	sadd.s32 $0xFFFFFEF7, lr;
	s5 =	simm.s32 $0xFFFFFFFF;
	p2 =	slt.u32 s8, $0xFFFFF086  }
0x1c: {  	p1 =	slt.u32 s9, $0xF7A;
	s5 =	simm.s32 @!p2 $0x0  }
0x1d: {  	s5 =	simm.s32 @p1 $0x1;
	p0 =	seq.s32 s7, s2  }
0x1e: {  	s7 =	smul.u32 @!p0 $0xF7A, s2;
	p2 =	seq.s32 @!p0 s5, $0x0  }
0x1f: {  	s9 =	smul.u32 $0xF7A, s1;
	s8 =	simm.s32 @!p0 $0x1BF5;
	p2 =	por !p2, p0  }
0x20: {  	[sflag:s8] =	ssyncset.s32 @!p0 $0xFFFFF086;
	s6 =	sadd.s32 @!p0 s3, s7;
	s7 =	simm.s32 @!p0 $0x108  }
0x21: {  	s3 =	sadd.s32 s3, s9;
	s6 =	sadd.s32 @!p0 $0x88, s6;
	s7 =	simm.s32 @p2 $0x1082  }
0x22: {  	[simem:s7], [sflag:s8] =	dma.local @!p0 [hbm:s6], $0xF7A  }
0x23: {  	s9 =	sor.u32 $0xD0000000, s2;
	s6 =	simm.s32 $0x108;
	_ =	swait.ge @!p0 [sflag:s8], $0x0  }
0x24: {  	s3 =	sadd.s32 $0x88, s3;
	s6 =	simm.s32 @!p1 $0x1082;
	[sflag:s4] =	ssyncset.s32 $0xFFFFF086  }
0x25: {  	[simem:s6], [sflag:s4] =	dma.local [hbm:s3], $0xF7A  }
0x26: {  	[smem:$0x3F94] =	sst s1;
	(tag) =	ssettag s2;
	_ =	strace s9  }
0x27: {  	s1 =	sld [smem:$0x3FA4]  }
0x28: {  	s2 =	sld [smem:$0x3FA5]  }
0x29: {  	s4 =	sld [smem:$0x3FA7]  }
0x2a: {  	p0 =	seq.s32 s5, $0x0;
	s5 =	sld [smem:$0x3FA8]  }
0x2b: {  	s6 =	sld [smem:$0x3FA9]  }
0x2c: {  	s7 =	sld [smem:$0x3FAA]  }
0x2d: {  	s3 =	simm.s32 $0x108;
	s8 =	sld [smem:$0x3FAB]  }
0x2e: {  	s3 =	simm.s32 @!p0 $0x1082;
	s9 =	sld [smem:$0x3FAC]  }
0x2f: {  	lr =	sadd.s32 s0, s3;
	s0 =	sld [smem:$0x3FA3]  }
0x30: {  	s3 =	sld [smem:$0x3FA6]  }
0x31: {  	[smem:$0x3FAF] =	sst s10  }
0x32: {  	s10 =	sld [smem:$0x3FAD];
	_ =	sdelay $0x3  }
0x33: {  	p0 =	seq.s32 s10, $0x1;
	s10 =	sld [smem:$0x3FAF];
	_ =	sdelay $0x3  }
0x34: {  	[smem:$0x3FAF] =	sst s10  }
0x35: {  	s10 =	sld [smem:$0x3FAE];
	_ =	sdelay $0x3  }
0x36: {  	p1 =	seq.s32 s10, $0x1;
	s10 =	sld [smem:$0x3FAF];
	_ =	sdelay $0x3  }
0x37: {  	[smem:$0x3FAF] =	sst s10  }
0x38: {  	s10 =	sld [smem:$0x3FB0]  }
0x39: {  	_ = 	snop;
	(pc) =	sbr.ind lr, $3  }
0x3a: {  	_ = 	snop  }
0x3b: {  	_ = 	snop  }
0x3c: {  	p2 =	seq.s32 s10, $0x1;
	s10 =	sld [smem:$0x3FAF]  }
0x3d: {  	_ =	shalt  }
0x3e: {  	_ =	shalt  }
0x3f: {  	_ =	shalt  }
0x40: {  	_ =	shalt  }
0x41: {  	_ =	shalt  }
0x42: {  	_ =	shalt  }
0x43: {  	_ =	shalt  }
0x44: {  	_ =	shalt  }
0x45: {  	_ =	shalt  }
0x46: {  	_ =	shalt  }
0x47: {  	_ =	shalt  }
0x48: {  	_ =	shalt  }
0x49: {  	_ =	shalt  }
0x4a: {  	_ =	shalt  }
0x4b: {  	_ =	shalt  }
0x4c: {  	_ =	shalt  }
0x4d: {  	_ =	shalt  }
0x4e: {  	_ =	shalt  }
0x4f: {  	_ =	shalt  }
0x50: {  	_ =	shalt  }
0x51: {  	_ =	shalt  }
0x52: {  	_ =	shalt  }
0x53: {  	_ =	shalt  }
0x54: {  	_ =	shalt  }
0x55: {  	_ =	shalt  }
0x56: {  	_ =	shalt  }
0x57: {  	_ =	shalt  }
0x58: {  	_ =	shalt  }
0x59: {  	_ =	shalt  }
0x5a: {  	_ =	shalt  }
0x5b: {  	_ =	shalt  }
0x5c: {  	_ =	shalt  }
0x5d: {  	_ =	shalt  }
0x5e: {  	_ =	shalt  }
0x5f: {  	_ =	shalt  }
0x60: {  	_ =	shalt  }
0x61: {  	_ =	shalt  }
0x62: {  	_ =	shalt  }
0x63: {  	_ =	shalt  }
0x64: {  	_ =	shalt  }
0x65: {  	_ =	shalt  }
0x66: {  	_ =	shalt  }
0x67: {  	_ =	shalt  }
0x68: {  	_ =	shalt  }
0x69: {  	_ =	shalt  }
0x6a: {  	_ =	shalt  }
0x6b: {  	_ =	shalt  }
0x6c: {  	_ =	shalt  }
0x6d: {  	_ =	shalt  }
0x6e: {  	_ =	shalt  }
0x6f: {  	_ =	shalt  }
0x70: {  	_ =	shalt  }
0x71: {  	_ =	shalt  }
0x72: {  	_ =	shalt  }
0x73: {  	_ =	shalt  }
0x74: {  	_ =	shalt  }
0x75: {  	_ =	shalt  }
0x76: {  	_ =	shalt  }
0x77: {  	_ =	shalt  }
0x78: {  	_ =	shalt  }
0x79: {  	_ =	shalt  }
0x7a: {  	_ =	shalt  }
0x7b: {  	_ =	shalt  }
0x7c: {  	_ =	shalt  }
0x7d: {  	_ =	shalt  }
0x7e: {  	_ =	shalt  }
0x7f: {  	_ =	shalt  }
0x80: {  	_ =	shalt  }
0x81: {  	_ =	shalt  }
0x82: {  	_ =	shalt  }
0x83: {  	_ =	shalt  }
0x84: {  	_ =	shalt  }
0x85: {  	_ =	shalt  }
0x86: {  	_ =	shalt  }
0x87: {  	_ =	shalt  }
.Lfunc_end0:
.L_simem_size_0:
called_computation.2_lowered:
.L_overlay_start_0:
0x88: {  	s2 =	sld [smem:$0x3FD9]  }
0x89: {  	s3 =	sld [smem:$0x3FFE];
	_ =	sdelay $0x1  }
0x8a: {  	s1 =	srdreg.scid  }
0x8b: {  	s0 =	sand.u32 $0x1, s1  }
0x8c: {  	s16 =	sshll.u32 s0, $0xA;
	s2 =	sadd.s32 s3, s2  }
0x8d: {  	s2 =	sadd.s32 s2, s16  }
0x8e: {  	[smem:$0x3FBB] =	sst s2  }
0x8f: {  	_ = 	snop  }
0x90: {  	(tm) =	ssettm $0x1  }
0x91: {  	s17 =	sld [smem:$0x3FFB];
	_ =	sdelay $0x3  }
0x92: {  	_ =	strace s17  }
0x93: {  	s2 =	sld [smem:$0x3FFC];
	_ =	sdelay $0x3  }
0x94: {  	_ =	strace s2  }
0x95: {  	s2 =	sld [smem:$0x3FFD];
	_ =	sdelay $0x3  }
0x96: {  	_ =	strace s2  }
0x97: {  	_ =	strace $0x8FFFFFFF  }
0x98: {  	s18 =	sld [smem:$0x3FDB];
	_ =	sdelay $0x1  }
0x99: {  	s19 =	simm.s32 $_scs_section_size  }
0x9a: {  	s4 =	simm.s32 $_size__tile_overlayer_lowered;
	s5 =	simm.s32 $_tile_overlayer_lowered  }
0x9b: {  	s22 =	simm.s32 $0x1BFF;
	s21 =	sshll.u32 s5, $0x1;
	s2 =	sadd.s32 s19, s18  }
0x9c: {  	s6 =	simm.s32 $0x0;
	s20 =	sshll.u32 s4, $0x1;
	s4 =	sadd.s32 s21, s2  }
0x9d: {  	[timem:s6], [sflag:s22] =	dma.local [hbm:s4], s20  }
0x9e: {  	_ =	swait.ge [sflag:s22], s20  }
0x9f: {  	s3 =	ssub.s32 $0x0, s20;
	[sflag:s22] =	ssyncset.done $0x0  }
0xa0: {  	[sflag:s22] =	ssyncadd.s32 s3;
	_ =	sdelay $0x1  }
0xa1: {  	s23 =	simm.s32 $0x1B8B  }
0xa2: {  	_ =	swait.ge [sflag:s23], $0x1  }
0xa3: {  	[sflag:s23] =	ssyncset.done $0x0  }
0xa4: {  	s25 =	simm.s32 $0x1B8E;
	s24 =	sld [smem:$0x3FFE];
	[sflag:s23] =	ssyncadd.s32 $0xFFFFFFFF  }
0xa5: {  	s26 =	simm.s32 $execute0_lowered;
	[smem:$0x3FD2] =	sst s25  }
0xa6: {  	s4 =	sshll.u32 s26, $0x1;
	_ =	strace $0x8000004C;
	[dreg:$0x1] =	wrdreg $0xFFFFFFFF  }
0xa7: {  	s28 =	simm.s32 $_size_execute0_lowered;
	s2 =	sadd.s32 s2, s4;
	[dreg:$0x0] =	wrdreg $0x0  }
0xa8: {  	s4 =	sshll.u32 s28, $0x1;
	[dreg:$0x2] =	wrdreg s2  }
0xa9: {  	[dreg:$0x3] =	wrdreg s4  }
0xaa: {  	[dreg:$0x4] =	wrdreg $0xC0  }
0xab: {  	_ =	task [dreg:s6], $0x5FFFF  }
0xac: {  	[dreg:$0x1] =	wrdreg $0xFFFFFFFF  }
0xad: {  	[dreg:$0x0] =	wrdreg $0x60  }
0xae: {  	[dreg:$0x2] =	wrdreg s24  }
0xaf: {  	[dreg:$0x3] =	wrdreg $0x0  }
0xb0: {  	[dreg:$0x4] =	wrdreg $0x9  }
0xb1: {  	_ =	task.clear_ibuf [dreg:s6], $0x5FFFF;
	_ =	strace $0x9000004C  }
0xb2: {  	s29 =	simm.s32 $0x9;
	_ =	strace $0x8000004E  }
0xb3: {  	_ =	swait.ge [sflag:s29], $0x1  }
0xb4: {  	[sflag:s29] =	ssyncadd.s32 $0xFFFFFFFF  }
0xb5: {  	_ =	strace $0x9000004E  }
0xb6: {  	_ =	sfence  }
0xb7: {  	s30 =	sld [smem:$0x0];
	_ =	sdelay $0x2  }
0xb8: {  	s31 =	sshll.u32 s1, $0xD;
	s1 =	sshrl.u32 s1, $0x2  }
0xb9: {  	s3 =	sand.u32 $0x4000, s31;
	s1 =	sadd.s32 s1, s30  }
0xba: {  	s0 =	sor.u32 s3, s0;
	s1 =	sshll.u32 s1, $0x11  }
0xbb: {  	s0 =	sor.u32 s1, s0  }
0xbc: {  	s0 =	sadd.s32 $0x8F2B, s0  }
0xbd: {  	[sflag:s0] =	ssyncadd.remote.s32 $0x1  }
0xbe: {  	_ =	sfence.sel $0xFFFF  }
0xbf: {  	[dreg:$0x0] =	wrdreg $0xFFFFFFFF;
	(pc) =	sbr.abs _section_cstart, $3  }
0xc0: {  	[dreg:$0x1] =	wrdreg $0xFFFFFFFF  }
0xc1: {  	_ =	task.clear_ibuf [dreg:s6], $0x2FFFF;
	_ =	strace $0x9FFFFFFF  }
0xc2: {  	(tm) =	ssettm $0x7FFFFFFF  }
0xc3: {  	_ =	shalt  }
tec
execute0_lowered:
.L_overlay_start_1:
0x0: {  	(tag) =	ssettag $0x1  }
0x1: {  	s6 =	rddreg [dreg:$0x0]  }
0x2: {  	s2 =	rddreg [dreg:$0x1]  }
0x3: {  	s0 =	rddreg [dreg:$0x2];
	s3 =	srdreg.scid  }
0x4: {  	s1 =	stileid.u32;
	s13 =	simm.s32 $0x9E00;
	s14 =	simm.s32 $0xC580  }
0x5: {  	s15 =	simm.s32 $0x80;
	s16 =	simm.s32 $0xED00;
	s17 =	simm.s32 $0x0  }
0x6: {  	s5 =	sand.u32 $0x1, s3;
	s4 =	sshll.u32 s1, $0x1;
	s7 =	smul.u32 $0x9E00, s1  }
0x7: {  	s3 =	simm.s32 $0x0;
	s31 =	sshll.u32 s1, $0x6;
	s4 =	sor.u32 s5, s4  }
0x8: {  	s8 =	smul.u32 $0x9E000, s5;
	[smem:$0x7FF] =	sst s3;
	s10 =	ssub.s32 $0x2, s5  }
0x9: {  	s5 =	sadd.s32 $0xD800, s6;
	s9 =	smul.u32 $0x4F0, s4;
	_ =	strace $0x8000004D  }
0xa: {  	s4 =	sadd.s32 $0x71200, s6;
	s30 =	sshrl.u32 s10, $0x1;
	s8 =	sadd.s32 s7, s8  }
0xb: {  	s12 =	sadd.s32 s7, s2;
	s10 =	ssub.s32 s10, s30;
	s8 =	sshrl.u32 s8, $0x3  }
0xc: {  	s9 =	sadd.s32 s9, s6;
	s10 =	smax.u32 s10, $0x1;
	s11 =	sadd.s32 s8, s6  }
0xd: {  	s6 =	sor.u32 $0x1C01, s31;
	s7 =	sadd.s32 $0x18400, s9;
	s8 =	sadd.s32 $0x3400, s9  }
0xe: {  	s9 =	sadd.s32 $0x84C00, s11;
	s11 =	sshrl.u32 s12, $0x3;
	s12 =	simm.s32 $0x1  }
.LBB2_1:
0xf: {  	[spmem:s11], [sflag:s6] =	dma.local [hbm:s5], $0x13C0  }
0x10: {  	_ =	swait.ge [sflag:s12], $0x13C0  }
0x11: {  	[sflag:s12] =	ssyncset.done $0x0  }
0x12: {  	[sflag:s12] =	ssyncadd.s32 $0xFFFFEC40  }
0x13: {  	[tilespmem:s13], [sflag:$0x1] =	stream.linear.gather [hbm4b:s7+s3], $0x2780, $0x38;
	[tilespmem:$0x10D00] =	vst v63  }
0x14: {  	_ =	swait.ge [sflag:s12], $0x2780  }
0x15: {  	[sflag:s12] =	ssyncset.done $0x0  }
0x16: {  	[sflag:s12] =	ssyncadd.s32 $0xFFFFD880  }
0x17: {  	[tilespmem:s14], [sflag:$0x1] =	stream.linear.gather [hbm4b:s8+s3], $0x2780, $0x38;
	[tilespmem:$0x10D00] =	vst v63  }
0x18: {  	_ =	swait.ge [sflag:s12], $0x2780  }
0x19: {  	[sflag:s12] =	ssyncset.done $0x0  }
0x1a: {  	[sflag:s12] =	ssyncadd.s32 $0xFFFFD880  }
0x1b: {  	s18 =	simm.s32 $0x9E00;
	[bflag:$0x0] =	sbarrier.arrive $0xFFFF  }
0x1c: {  	[tilespmem:s16], [sflag:$0x1] =	stream.indirect.gather [hbm4b:s4+s15], $0x40, s18, s15, $0xb8;
	[tilespmem:$0x10D00] =	vst v63  }
0x1d: {  	_ =	swait.ge [sflag:s12], $0x2000  }
0x1e: {  	[sflag:s12] =	ssyncset.done $0x0  }
0x1f: {  	s31 =	simm.s32 $0xC580;
	[sflag:s12] =	ssyncadd.s32 $0xFFFFE000  }
0x20: {  	[spmem:s2] =	stream.indirect.scatter.add.f32 [tilespmem:s16], [sflag:$0x1], $0x40, s31, s15, $0xb8;
	[tilespmem:$0x10D00] =	vst v63  }
0x21: {  	_ =	swait.ge [sflag:s12], $0x2000  }
0x22: {  	s19 =	simm.s32 $0x400;
	s18 =	simm.s32 $0x80;
	[sflag:s12] =	ssyncset.done $0x0  }
.LBB2_2:
0x23: {  	s20 =	sadd.s32 $0x9E00, s18  }
0x24: {  	[sflag:s12] =	ssyncadd.s32 $0xFFFFE000;
	s21 =	smov.u32 s19;
	s22 =	sadd.s32 $0x200, s19  }
0x25: {  	[tilespmem:s16], [sflag:$0x1] =	stream.indirect.gather [hbm4b:s4+s15], $0x40, s20, s15, $0xb8;
	[tilespmem:$0x10D00] =	vst v63  }
0x26: {  	p0 =	sne.s32 s19, $0x9C00;
	_ =	swait.ge [sflag:s12], $0x2000  }
.Ltmp0:
0x27: {  	[sflag:s12] =	ssyncset.done $0x0;
	(pc) =	sbr.rel @p0 .LBB2_2-.Ltmp0, $4  }
0x28: {  	s18 =	sadd.s32 $0xC580, s18;
	[sflag:s12] =	ssyncadd.s32 $0xFFFFE000  }
0x29: {  	[spmem:s2] =	stream.indirect.scatter.add.f32 [tilespmem:s16], [sflag:$0x1], $0x40, s18, s15, $0xb8;
	[tilespmem:$0x10D00] =	vst v63  }
0x2a: {  	_ =	swait.ge [sflag:s12], $0x2000  }
0x2b: {  	s19 =	smov.u32 s22;
	s18 =	sshra.s32 s21, $0x2;
	[sflag:s12] =	ssyncset.done $0x0  }
0x2c: {  	s19 =	sadd.s32 $0x9E00, s18;
	[sflag:s12] =	ssyncadd.s32 $0xFFFFE000  }
0x2d: {  	[tilespmem:s16], [sflag:$0x1] =	stream.indirect.gather [hbm4b:s4+s15], $0x40, s19, s15, $0xb8;
	[tilespmem:$0x10D00] =	vst v63  }
0x2e: {  	_ =	swait.ge [sflag:s12], $0x2000  }
0x2f: {  	[sflag:s12] =	ssyncset.done $0x0  }
0x30: {  	s31 =	sadd.s32 $0xC580, s18;
	[sflag:s12] =	ssyncadd.s32 $0xFFFFE000  }
0x31: {  	[spmem:s2] =	stream.indirect.scatter.add.f32 [tilespmem:s16], [sflag:$0x1], $0x40, s31, s15, $0xb8;
	[tilespmem:$0x10D00] =	vst v63  }
0x32: {  	_ =	swait.ge [sflag:s12], $0x2000  }
0x33: {  	s17 =	sadd.s32 $0x1, s17;
	[sflag:s12] =	ssyncset.done $0x0  }
0x34: {  	p0 =	sne.s32 s17, s10;
	[sflag:s12] =	ssyncadd.s32 $0xFFFFE000  }
.Ltmp1:
0x35: {  	[bflag:$0x0] =	sbarrier.arrive $0xFFFF;
	(pc) =	sbr.rel @p0 .LBB2_1-.Ltmp1, $4  }
0x36: {  	[hbm:s9], [sflag:s6] =	dma.local [spmem:s11], $0x13C0  }
0x37: {  	_ =	swait.ge [sflag:s12], $0x13C0  }
0x38: {  	[sflag:s12] =	ssyncset.done $0x0  }
0x39: {  	[sflag:s12] =	ssyncadd.s32 $0xFFFFEC40  }
0x3a: {  	_ =	sfence.sel $0x180000  }
0x3b: {  	[bflag:$0x0] =	sbarrier.arrive $0xFFFF  }
0x3c: {  	p0 =	sne.s32 s1, $0x0;
	_ =	strace $0x9000004D  }
0x3d: {  	s0 =	sadd.s32 @!p0 $0x100000, s0;
	[bflag:$0x2] =	sbarrier.arrive $0xFFFF  }
0x3e: {  	[sflag:s0] =	ssyncadd.tile.s32 @!p0 $0x1;
	_ =	shalt  }
.Lfunc_end2:
_tile_overlayer_lowered:
.L_overlay_start_2:
0x3f: {  	(tag) =	ssettag $0x2  }
0x40: {  	s0 =	rddreg [dreg:$0x0];
	s2 =	stileid.u32  }
0x41: {  	s1 =	rddreg [dreg:$0x1];
	p0 =	sne.s32 s2, $0x0  }
0x42: {  	s3 =	rddreg [dreg:$0x2];
	[bflag:$0x3] =	sbarrier.arrive $0xFFFF;
	s2 =	simm.s32 @!p0 $0x1C01  }
0x43: {  	[timem:s3], [sflag:s2] =	dma.local @!p0 [hbm:s0], s1  }
0x44: {  	s0 =	simm.s32 @!p0 $0x1  }
0x45: {  	_ =	swait.ge @!p0 [sflag:s0], s1  }
0x46: {  	s1 =	ssub.s32 @!p0 $0x0, s1;
	[sflag:s0] =	ssyncset.done @!p0 $0x0  }
0x47: {  	[sflag:s0] =	ssyncadd.s32 @!p0 s1  }
0x48: {  	[bflag:$0x3] =	sbarrier.arrive $0xFFFF  }
0x49: {  	_ =	shalt  }

// kernel: kernel.21.cloned.1.call-start
scs
__scs_entry_jumppad:
0x0: {  	(pc) =	sbr.rel $0x88, $3  }
0x1: {  	(tag) =	ssettag $0x0;
	lr =	simm.s32 $0x1  }
0x2: {  	[smem:$0x3F94] =	sst lr;
	_ =	strace $0xD0000000  }
0x3: {  	_ = 	snop  }
0x4: {  	_ = 	snop  }
0x5: {  	_ = 	snop  }
0x6: {  	_ = 	snop  }
0x7: {  	_ = 	snop  }
__scs_overlays_trampoline_lowered:
0x8: {  	[smem:$0x3FA3] =	sst s0  }
0x9: {  	[smem:$0x3FA4] =	sst s1  }
0xa: {  	[smem:$0x3FA5] =	sst s2  }
0xb: {  	[smem:$0x3FA6] =	sst s3  }
0xc: {  	[smem:$0x3FA7] =	sst s4  }
0xd: {  	[smem:$0x3FA8] =	sst s5  }
0xe: {  	[smem:$0x3FA9] =	sst s6  }
0xf: {  	[smem:$0x3FAA] =	sst s7  }
0x10: {  	[smem:$0x3FAB] =	sst s8  }
0x11: {  	[smem:$0x3FAC] =	sst s9;
	s0 =	simm.s32 @!p0 $0x0  }
0x12: {  	s1 =	sld [smem:$0x3F92];
	s0 =	simm.s32 @p0 $0x1  }
0x13: {  	[smem:$0x3FAD] =	sst s0;
	s0 =	simm.s32 @!p1 $0x0  }
0x14: {  	s2 =	sld [smem:$0x3F91];
	s0 =	simm.s32 @p1 $0x1  }
0x15: {  	[smem:$0x3FAE] =	sst s0;
	s0 =	simm.s32 @!p2 $0x0  }
0x16: {  	s3 =	sld [smem:$0x3FDB];
	s0 =	simm.s32 @p2 $0x1  }
0x17: {  	s4 =	simm.s32 $0x1BF5;
	[smem:$0x3FB0] =	sst s0  }
0x18: {  	s0 =	sld [smem:$0x3F93];
	_ =	swait.ge [sflag:s4], $0x0  }
0x19: {  	s7 =	sld [smem:$0x3F94]  }
0x1a: {  	s8 =	sadd.s32 $0xFFFFE003, lr  }
0x1b: {  	s9 =	sadd.s32 $0xFFFFFEF7, lr;
	s5 =	simm.s32 $0xFFFFFFFF;
	p2 =	slt.u32 s8, $0xFFFFF086  }
0x1c: {  	p1 =	slt.u32 s9, $0xF7A;
	s5 =	simm.s32 @!p2 $0x0  }
0x1d: {  	s5 =	simm.s32 @p1 $0x1;
	p0 =	seq.s32 s7, s2  }
0x1e: {  	s7 =	smul.u32 @!p0 $0xF7A, s2;
	p2 =	seq.s32 @!p0 s5, $0x0  }
0x1f: {  	s9 =	smul.u32 $0xF7A, s1;
	s8 =	simm.s32 @!p0 $0x1BF5;
	p2 =	por !p2, p0  }
0x20: {  	[sflag:s8] =	ssyncset.s32 @!p0 $0xFFFFF086;
	s6 =	sadd.s32 @!p0 s3, s7;
	s7 =	simm.s32 @!p0 $0x108  }
0x21: {  	s3 =	sadd.s32 s3, s9;
	s6 =	sadd.s32 @!p0 $0x88, s6;
	s7 =	simm.s32 @p2 $0x1082  }
0x22: {  	[simem:s7], [sflag:s8] =	dma.local @!p0 [hbm:s6], $0xF7A  }
0x23: {  	s9 =	sor.u32 $0xD0000000, s2;
	s6 =	simm.s32 $0x108;
	_ =	swait.ge @!p0 [sflag:s8], $0x0  }
0x24: {  	s3 =	sadd.s32 $0x88, s3;
	s6 =	simm.s32 @!p1 $0x1082;
	[sflag:s4] =	ssyncset.s32 $0xFFFFF086  }
0x25: {  	[simem:s6], [sflag:s4] =	dma.local [hbm:s3], $0xF7A  }
0x26: {  	[smem:$0x3F94] =	sst s1;
	(tag) =	ssettag s2;
	_ =	strace s9  }
0x27: {  	s1 =	sld [smem:$0x3FA4]  }
0x28: {  	s2 =	sld [smem:$0x3FA5]  }
0x29: {  	s4 =	sld [smem:$0x3FA7]  }
0x2a: {  	p0 =	seq.s32 s5, $0x0;
	s5 =	sld [smem:$0x3FA8]  }
0x2b: {  	s6 =	sld [smem:$0x3FA9]  }
0x2c: {  	s7 =	sld [smem:$0x3FAA]  }
0x2d: {  	s3 =	simm.s32 $0x108;
	s8 =	sld [smem:$0x3FAB]  }
0x2e: {  	s3 =	simm.s32 @!p0 $0x1082;
	s9 =	sld [smem:$0x3FAC]  }
0x2f: {  	lr =	sadd.s32 s0, s3;
	s0 =	sld [smem:$0x3FA3]  }
0x30: {  	s3 =	sld [smem:$0x3FA6]  }
0x31: {  	[smem:$0x3FAF] =	sst s10  }
0x32: {  	s10 =	sld [smem:$0x3FAD];
	_ =	sdelay $0x3  }
0x33: {  	p0 =	seq.s32 s10, $0x1;
	s10 =	sld [smem:$0x3FAF];
	_ =	sdelay $0x3  }
0x34: {  	[smem:$0x3FAF] =	sst s10  }
0x35: {  	s10 =	sld [smem:$0x3FAE];
	_ =	sdelay $0x3  }
0x36: {  	p1 =	seq.s32 s10, $0x1;
	s10 =	sld [smem:$0x3FAF];
	_ =	sdelay $0x3  }
0x37: {  	[smem:$0x3FAF] =	sst s10  }
0x38: {  	s10 =	sld [smem:$0x3FB0]  }
0x39: {  	_ = 	snop;
	(pc) =	sbr.ind lr, $3  }
0x3a: {  	_ = 	snop  }
0x3b: {  	_ = 	snop  }
0x3c: {  	p2 =	seq.s32 s10, $0x1;
	s10 =	sld [smem:$0x3FAF]  }
0x3d: {  	_ =	shalt  }
0x3e: {  	_ =	shalt  }
0x3f: {  	_ =	shalt  }
0x40: {  	_ =	shalt  }
0x41: {  	_ =	shalt  }
0x42: {  	_ =	shalt  }
0x43: {  	_ =	shalt  }
0x44: {  	_ =	shalt  }
0x45: {  	_ =	shalt  }
0x46: {  	_ =	shalt  }
0x47: {  	_ =	shalt  }
0x48: {  	_ =	shalt  }
0x49: {  	_ =	shalt  }
0x4a: {  	_ =	shalt  }
0x4b: {  	_ =	shalt  }
0x4c: {  	_ =	shalt  }
0x4d: {  	_ =	shalt  }
0x4e: {  	_ =	shalt  }
0x4f: {  	_ =	shalt  }
0x50: {  	_ =	shalt  }
0x51: {  	_ =	shalt  }
0x52: {  	_ =	shalt  }
0x53: {  	_ =	shalt  }
0x54: {  	_ =	shalt  }
0x55: {  	_ =	shalt  }
0x56: {  	_ =	shalt  }
0x57: {  	_ =	shalt  }
0x58: {  	_ =	shalt  }
0x59: {  	_ =	shalt  }
0x5a: {  	_ =	shalt  }
0x5b: {  	_ =	shalt  }
0x5c: {  	_ =	shalt  }
0x5d: {  	_ =	shalt  }
0x5e: {  	_ =	shalt  }
0x5f: {  	_ =	shalt  }
0x60: {  	_ =	shalt  }
0x61: {  	_ =	shalt  }
0x62: {  	_ =	shalt  }
0x63: {  	_ =	shalt  }
0x64: {  	_ =	shalt  }
0x65: {  	_ =	shalt  }
0x66: {  	_ =	shalt  }
0x67: {  	_ =	shalt  }
0x68: {  	_ =	shalt  }
0x69: {  	_ =	shalt  }
0x6a: {  	_ =	shalt  }
0x6b: {  	_ =	shalt  }
0x6c: {  	_ =	shalt  }
0x6d: {  	_ =	shalt  }
0x6e: {  	_ =	shalt  }
0x6f: {  	_ =	shalt  }
0x70: {  	_ =	shalt  }
0x71: {  	_ =	shalt  }
0x72: {  	_ =	shalt  }
0x73: {  	_ =	shalt  }
0x74: {  	_ =	shalt  }
0x75: {  	_ =	shalt  }
0x76: {  	_ =	shalt  }
0x77: {  	_ =	shalt  }
0x78: {  	_ =	shalt  }
0x79: {  	_ =	shalt  }
0x7a: {  	_ =	shalt  }
0x7b: {  	_ =	shalt  }
0x7c: {  	_ =	shalt  }
0x7d: {  	_ =	shalt  }
0x7e: {  	_ =	shalt  }
0x7f: {  	_ =	shalt  }
0x80: {  	_ =	shalt  }
0x81: {  	_ =	shalt  }
0x82: {  	_ =	shalt  }
0x83: {  	_ =	shalt  }
0x84: {  	_ =	shalt  }
0x85: {  	_ =	shalt  }
0x86: {  	_ =	shalt  }
0x87: {  	_ =	shalt  }
.Lfunc_end0:
.L_simem_size_0:
called_computation.3_lowered:
.L_overlay_start_0:
0x88: {  	s2 =	sld [smem:$0x3FD9]  }
0x89: {  	s3 =	sld [smem:$0x3FFE];
	_ =	sdelay $0x1  }
0x8a: {  	s1 =	srdreg.scid  }
0x8b: {  	s0 =	sand.u32 $0x1, s1  }
0x8c: {  	s16 =	sshll.u32 s0, $0xA;
	s2 =	sadd.s32 s3, s2  }
0x8d: {  	s2 =	sadd.s32 s2, s16  }
0x8e: {  	[smem:$0x3FBB] =	sst s2  }
0x8f: {  	_ = 	snop  }
0x90: {  	(tm) =	ssettm $0x1  }
0x91: {  	s17 =	sld [smem:$0x3FFB];
	_ =	sdelay $0x3  }
0x92: {  	_ =	strace s17  }
0x93: {  	s2 =	sld [smem:$0x3FFC];
	_ =	sdelay $0x3  }
0x94: {  	_ =	strace s2  }
0x95: {  	s2 =	sld [smem:$0x3FFD];
	_ =	sdelay $0x3  }
0x96: {  	_ =	strace s2  }
0x97: {  	_ =	strace $0x8FFFFFFF  }
0x98: {  	s18 =	sld [smem:$0x3FDB];
	_ =	sdelay $0x1  }
0x99: {  	s19 =	simm.s32 $_scs_section_size  }
0x9a: {  	s4 =	simm.s32 $_size__tile_overlayer_lowered;
	s5 =	simm.s32 $_tile_overlayer_lowered  }
0x9b: {  	s22 =	simm.s32 $0x1BFF;
	s21 =	sshll.u32 s5, $0x1;
	s2 =	sadd.s32 s19, s18  }
0x9c: {  	s6 =	simm.s32 $0x0;
	s20 =	sshll.u32 s4, $0x1;
	s4 =	sadd.s32 s21, s2  }
0x9d: {  	[timem:s6], [sflag:s22] =	dma.local [hbm:s4], s20  }
0x9e: {  	_ =	swait.ge [sflag:s22], s20  }
0x9f: {  	s3 =	ssub.s32 $0x0, s20;
	[sflag:s22] =	ssyncset.done $0x0  }
0xa0: {  	[sflag:s22] =	ssyncadd.s32 s3;
	_ =	sdelay $0x1  }
0xa1: {  	s23 =	simm.s32 $0x1B8B  }
0xa2: {  	_ =	swait.ge [sflag:s23], $0x1  }
0xa3: {  	[sflag:s23] =	ssyncset.done $0x0  }
0xa4: {  	s25 =	simm.s32 $0x1B8E;
	s24 =	sld [smem:$0x3FFE];
	[sflag:s23] =	ssyncadd.s32 $0xFFFFFFFF  }
0xa5: {  	s26 =	simm.s32 $execute0_lowered;
	[smem:$0x3FD2] =	sst s25  }
0xa6: {  	s4 =	sshll.u32 s26, $0x1;
	_ =	strace $0x8000004F;
	[dreg:$0x1] =	wrdreg $0xFFFFFFFF  }
0xa7: {  	s28 =	simm.s32 $_size_execute0_lowered;
	s2 =	sadd.s32 s2, s4;
	[dreg:$0x0] =	wrdreg $0x0  }
0xa8: {  	s4 =	sshll.u32 s28, $0x1;
	[dreg:$0x2] =	wrdreg s2  }
0xa9: {  	[dreg:$0x3] =	wrdreg s4  }
0xaa: {  	[dreg:$0x4] =	wrdreg $0xC0  }
0xab: {  	_ =	task [dreg:s6], $0x5FFFF  }
0xac: {  	[dreg:$0x1] =	wrdreg $0xFFFFFFFF  }
0xad: {  	[dreg:$0x0] =	wrdreg $0x60  }
0xae: {  	[dreg:$0x2] =	wrdreg s24  }
0xaf: {  	[dreg:$0x3] =	wrdreg $0x0  }
0xb0: {  	[dreg:$0x4] =	wrdreg $0x9  }
0xb1: {  	_ =	task.clear_ibuf [dreg:s6], $0x5FFFF;
	_ =	strace $0x9000004F  }
0xb2: {  	s29 =	simm.s32 $0x9;
	_ =	strace $0x80000051  }
0xb3: {  	_ =	swait.ge [sflag:s29], $0x1  }
0xb4: {  	[sflag:s29] =	ssyncadd.s32 $0xFFFFFFFF  }
0xb5: {  	_ =	strace $0x90000051  }
0xb6: {  	_ =	sfence  }
0xb7: {  	s30 =	sld [smem:$0x0];
	_ =	sdelay $0x2  }
0xb8: {  	s31 =	sshll.u32 s1, $0xD;
	s1 =	sshrl.u32 s1, $0x2  }
0xb9: {  	s3 =	sand.u32 $0x4000, s31;
	s1 =	sadd.s32 s1, s30  }
0xba: {  	s0 =	sor.u32 s3, s0;
	s1 =	sshll.u32 s1, $0x11  }
0xbb: {  	s0 =	sor.u32 s1, s0  }
0xbc: {  	s0 =	sadd.s32 $0x8F2B, s0  }
0xbd: {  	[sflag:s0] =	ssyncadd.remote.s32 $0x1  }
0xbe: {  	_ =	sfence.sel $0xFFFF  }
0xbf: {  	[dreg:$0x0] =	wrdreg $0xFFFFFFFF;
	(pc) =	sbr.abs _section_cstart, $3  }
0xc0: {  	[dreg:$0x1] =	wrdreg $0xFFFFFFFF  }
0xc1: {  	_ =	task.clear_ibuf [dreg:s6], $0x2FFFF;
	_ =	strace $0x9FFFFFFF  }
0xc2: {  	(tm) =	ssettm $0x7FFFFFFF  }
0xc3: {  	_ =	shalt  }
tec
execute0_lowered:
.L_overlay_start_1:
0x0: {  	(tag) =	ssettag $0x1  }
0x1: {  	s6 =	rddreg [dreg:$0x0]  }
0x2: {  	s2 =	rddreg [dreg:$0x1]  }
0x3: {  	s0 =	rddreg [dreg:$0x2];
	s3 =	srdreg.scid  }
0x4: {  	s1 =	stileid.u32;
	s13 =	simm.s32 $0x9E00;
	s14 =	simm.s32 $0xC580  }
0x5: {  	s15 =	simm.s32 $0x80;
	s16 =	simm.s32 $0xED00;
	s17 =	simm.s32 $0x0  }
0x6: {  	s5 =	sand.u32 $0x1, s3;
	s4 =	sshll.u32 s1, $0x1;
	s7 =	smul.u32 $0x9E00, s1  }
0x7: {  	s3 =	simm.s32 $0x0;
	s31 =	sshll.u32 s1, $0x6;
	s4 =	sor.u32 s5, s4  }
0x8: {  	s8 =	smul.u32 $0x9E000, s5;
	[smem:$0x7FF] =	sst s3;
	s10 =	ssub.s32 $0x2, s5  }
0x9: {  	s5 =	sadd.s32 $0xD800, s6;
	s9 =	smul.u32 $0x4F0, s4;
	_ =	strace $0x80000050  }
0xa: {  	s4 =	sadd.s32 $0x71200, s6;
	s30 =	sshrl.u32 s10, $0x1;
	s8 =	sadd.s32 s7, s8  }
0xb: {  	s12 =	sadd.s32 s7, s2;
	s10 =	ssub.s32 s10, s30;
	s8 =	sshrl.u32 s8, $0x3  }
0xc: {  	s9 =	sadd.s32 s9, s6;
	s10 =	smax.u32 s10, $0x1;
	s11 =	sadd.s32 s8, s6  }
0xd: {  	s6 =	sor.u32 $0x1C01, s31;
	s7 =	sadd.s32 $0x18400, s9;
	s8 =	sadd.s32 $0x3400, s9  }
0xe: {  	s9 =	sadd.s32 $0x84C00, s11;
	s11 =	sshrl.u32 s12, $0x3;
	s12 =	simm.s32 $0x1  }
.LBB2_1:
0xf: {  	[spmem:s11], [sflag:s6] =	dma.local [hbm:s5], $0x13C0  }
0x10: {  	_ =	swait.ge [sflag:s12], $0x13C0  }
0x11: {  	[sflag:s12] =	ssyncset.done $0x0  }
0x12: {  	[sflag:s12] =	ssyncadd.s32 $0xFFFFEC40  }
0x13: {  	[tilespmem:s13], [sflag:$0x1] =	stream.linear.gather [hbm4b:s7+s3], $0x2780, $0x38;
	[tilespmem:$0x10D00] =	vst v63  }
0x14: {  	_ =	swait.ge [sflag:s12], $0x2780  }
0x15: {  	[sflag:s12] =	ssyncset.done $0x0  }
0x16: {  	[sflag:s12] =	ssyncadd.s32 $0xFFFFD880  }
0x17: {  	[tilespmem:s14], [sflag:$0x1] =	stream.linear.gather [hbm4b:s8+s3], $0x2780, $0x38;
	[tilespmem:$0x10D00] =	vst v63  }
0x18: {  	_ =	swait.ge [sflag:s12], $0x2780  }
0x19: {  	[sflag:s12] =	ssyncset.done $0x0  }
0x1a: {  	[sflag:s12] =	ssyncadd.s32 $0xFFFFD880  }
0x1b: {  	s18 =	simm.s32 $0x9E00;
	[bflag:$0x0] =	sbarrier.arrive $0xFFFF  }
0x1c: {  	[tilespmem:s16], [sflag:$0x1] =	stream.indirect.gather [hbm4b:s4+s15], $0x40, s18, s15, $0xb8;
	[tilespmem:$0x10D00] =	vst v63  }
0x1d: {  	_ =	swait.ge [sflag:s12], $0x2000  }
0x1e: {  	[sflag:s12] =	ssyncset.done $0x0  }
0x1f: {  	s31 =	simm.s32 $0xC580;
	[sflag:s12] =	ssyncadd.s32 $0xFFFFE000  }
0x20: {  	[spmem:s2] =	stream.indirect.scatter.add.f32 [tilespmem:s16], [sflag:$0x1], $0x40, s31, s15, $0xb8;
	[tilespmem:$0x10D00] =	vst v63  }
0x21: {  	_ =	swait.ge [sflag:s12], $0x2000  }
0x22: {  	s19 =	simm.s32 $0x400;
	s18 =	simm.s32 $0x80;
	[sflag:s12] =	ssyncset.done $0x0  }
.LBB2_2:
0x23: {  	s20 =	sadd.s32 $0x9E00, s18  }
0x24: {  	[sflag:s12] =	ssyncadd.s32 $0xFFFFE000;
	s21 =	smov.u32 s19;
	s22 =	sadd.s32 $0x200, s19  }
0x25: {  	[tilespmem:s16], [sflag:$0x1] =	stream.indirect.gather [hbm4b:s4+s15], $0x40, s20, s15, $0xb8;
	[tilespmem:$0x10D00] =	vst v63  }
0x26: {  	p0 =	sne.s32 s19, $0x9C00;
	_ =	swait.ge [sflag:s12], $0x2000  }
.Ltmp0:
0x27: {  	[sflag:s12] =	ssyncset.done $0x0;
	(pc) =	sbr.rel @p0 .LBB2_2-.Ltmp0, $4  }
0x28: {  	s18 =	sadd.s32 $0xC580, s18;
	[sflag:s12] =	ssyncadd.s32 $0xFFFFE000  }
0x29: {  	[spmem:s2] =	stream.indirect.scatter.add.f32 [tilespmem:s16], [sflag:$0x1], $0x40, s18, s15, $0xb8;
	[tilespmem:$0x10D00] =	vst v63  }
0x2a: {  	_ =	swait.ge [sflag:s12], $0x2000  }
0x2b: {  	s19 =	smov.u32 s22;
	s18 =	sshra.s32 s21, $0x2;
	[sflag:s12] =	ssyncset.done $0x0  }
0x2c: {  	s19 =	sadd.s32 $0x9E00, s18;
	[sflag:s12] =	ssyncadd.s32 $0xFFFFE000  }
0x2d: {  	[tilespmem:s16], [sflag:$0x1] =	stream.indirect.gather [hbm4b:s4+s15], $0x40, s19, s15, $0xb8;
	[tilespmem:$0x10D00] =	vst v63  }
0x2e: {  	_ =	swait.ge [sflag:s12], $0x2000  }
0x2f: {  	[sflag:s12] =	ssyncset.done $0x0  }
0x30: {  	s31 =	sadd.s32 $0xC580, s18;
	[sflag:s12] =	ssyncadd.s32 $0xFFFFE000  }
0x31: {  	[spmem:s2] =	stream.indirect.scatter.add.f32 [tilespmem:s16], [sflag:$0x1], $0x40, s31, s15, $0xb8;
	[tilespmem:$0x10D00] =	vst v63  }
0x32: {  	_ =	swait.ge [sflag:s12], $0x2000  }
0x33: {  	s17 =	sadd.s32 $0x1, s17;
	[sflag:s12] =	ssyncset.done $0x0  }
0x34: {  	p0 =	sne.s32 s17, s10;
	[sflag:s12] =	ssyncadd.s32 $0xFFFFE000  }
.Ltmp1:
0x35: {  	[bflag:$0x0] =	sbarrier.arrive $0xFFFF;
	(pc) =	sbr.rel @p0 .LBB2_1-.Ltmp1, $4  }
0x36: {  	[hbm:s9], [sflag:s6] =	dma.local [spmem:s11], $0x13C0  }
0x37: {  	_ =	swait.ge [sflag:s12], $0x13C0  }
0x38: {  	[sflag:s12] =	ssyncset.done $0x0  }
0x39: {  	[sflag:s12] =	ssyncadd.s32 $0xFFFFEC40  }
0x3a: {  	_ =	sfence.sel $0x180000  }
0x3b: {  	[bflag:$0x0] =	sbarrier.arrive $0xFFFF  }
0x3c: {  	p0 =	sne.s32 s1, $0x0;
	_ =	strace $0x90000050  }
0x3d: {  	s0 =	sadd.s32 @!p0 $0x100000, s0;
	[bflag:$0x2] =	sbarrier.arrive $0xFFFF  }
0x3e: {  	[sflag:s0] =	ssyncadd.tile.s32 @!p0 $0x1;
	_ =	shalt  }
.Lfunc_end2:
_tile_overlayer_lowered:
.L_overlay_start_2:
0x3f: {  	(tag) =	ssettag $0x2  }
0x40: {  	s0 =	rddreg [dreg:$0x0];
	s2 =	stileid.u32  }
0x41: {  	s1 =	rddreg [dreg:$0x1];
	p0 =	sne.s32 s2, $0x0  }
0x42: {  	s3 =	rddreg [dreg:$0x2];
	[bflag:$0x3] =	sbarrier.arrive $0xFFFF;
	s2 =	simm.s32 @!p0 $0x1C01  }
0x43: {  	[timem:s3], [sflag:s2] =	dma.local @!p0 [hbm:s0], s1  }
0x44: {  	s0 =	simm.s32 @!p0 $0x1  }
0x45: {  	_ =	swait.ge @!p0 [sflag:s0], s1  }
0x46: {  	s1 =	ssub.s32 @!p0 $0x0, s1;
	[sflag:s0] =	ssyncset.done @!p0 $0x0  }
0x47: {  	[sflag:s0] =	ssyncadd.s32 @!p0 s1  }
0x48: {  	[bflag:$0x3] =	sbarrier.arrive $0xFFFF  }
0x49: {  	_ =	shalt  }

// kernel: kernel.24.cloned.1.call-start
scs
__scs_entry_jumppad:
0x0: {  	(pc) =	sbr.rel $0x88, $3  }
0x1: {  	(tag) =	ssettag $0x0;
	lr =	simm.s32 $0x1  }
0x2: {  	[smem:$0x3F94] =	sst lr;
	_ =	strace $0xD0000000  }
0x3: {  	_ = 	snop  }
0x4: {  	_ = 	snop  }
0x5: {  	_ = 	snop  }
0x6: {  	_ = 	snop  }
0x7: {  	_ = 	snop  }
__scs_overlays_trampoline_lowered:
0x8: {  	[smem:$0x3FA3] =	sst s0  }
0x9: {  	[smem:$0x3FA4] =	sst s1  }
0xa: {  	[smem:$0x3FA5] =	sst s2  }
0xb: {  	[smem:$0x3FA6] =	sst s3  }
0xc: {  	[smem:$0x3FA7] =	sst s4  }
0xd: {  	[smem:$0x3FA8] =	sst s5  }
0xe: {  	[smem:$0x3FA9] =	sst s6  }
0xf: {  	[smem:$0x3FAA] =	sst s7  }
0x10: {  	[smem:$0x3FAB] =	sst s8  }
0x11: {  	[smem:$0x3FAC] =	sst s9;
	s0 =	simm.s32 @!p0 $0x0  }
0x12: {  	s1 =	sld [smem:$0x3F92];
	s0 =	simm.s32 @p0 $0x1  }
0x13: {  	[smem:$0x3FAD] =	sst s0;
	s0 =	simm.s32 @!p1 $0x0  }
0x14: {  	s2 =	sld [smem:$0x3F91];
	s0 =	simm.s32 @p1 $0x1  }
0x15: {  	[smem:$0x3FAE] =	sst s0;
	s0 =	simm.s32 @!p2 $0x0  }
0x16: {  	s3 =	sld [smem:$0x3FDB];
	s0 =	simm.s32 @p2 $0x1  }
0x17: {  	s4 =	simm.s32 $0x1BF5;
	[smem:$0x3FB0] =	sst s0  }
0x18: {  	s0 =	sld [smem:$0x3F93];
	_ =	swait.ge [sflag:s4], $0x0  }
0x19: {  	s7 =	sld [smem:$0x3F94]  }
0x1a: {  	s8 =	sadd.s32 $0xFFFFE003, lr  }
0x1b: {  	s9 =	sadd.s32 $0xFFFFFEF7, lr;
	s5 =	simm.s32 $0xFFFFFFFF;
	p2 =	slt.u32 s8, $0xFFFFF086  }
0x1c: {  	p1 =	slt.u32 s9, $0xF7A;
	s5 =	simm.s32 @!p2 $0x0  }
0x1d: {  	s5 =	simm.s32 @p1 $0x1;
	p0 =	seq.s32 s7, s2  }
0x1e: {  	s7 =	smul.u32 @!p0 $0xF7A, s2;
	p2 =	seq.s32 @!p0 s5, $0x0  }
0x1f: {  	s9 =	smul.u32 $0xF7A, s1;
	s8 =	simm.s32 @!p0 $0x1BF5;
	p2 =	por !p2, p0  }
0x20: {  	[sflag:s8] =	ssyncset.s32 @!p0 $0xFFFFF086;
	s6 =	sadd.s32 @!p0 s3, s7;
	s7 =	simm.s32 @!p0 $0x108  }
0x21: {  	s3 =	sadd.s32 s3, s9;
	s6 =	sadd.s32 @!p0 $0x88, s6;
	s7 =	simm.s32 @p2 $0x1082  }
0x22: {  	[simem:s7], [sflag:s8] =	dma.local @!p0 [hbm:s6], $0xF7A  }
0x23: {  	s9 =	sor.u32 $0xD0000000, s2;
	s6 =	simm.s32 $0x108;
	_ =	swait.ge @!p0 [sflag:s8], $0x0  }
0x24: {  	s3 =	sadd.s32 $0x88, s3;
	s6 =	simm.s32 @!p1 $0x1082;
	[sflag:s4] =	ssyncset.s32 $0xFFFFF086  }
0x25: {  	[simem:s6], [sflag:s4] =	dma.local [hbm:s3], $0xF7A  }
0x26: {  	[smem:$0x3F94] =	sst s1;
	(tag) =	ssettag s2;
	_ =	strace s9  }
0x27: {  	s1 =	sld [smem:$0x3FA4]  }
0x28: {  	s2 =	sld [smem:$0x3FA5]  }
0x29: {  	s4 =	sld [smem:$0x3FA7]  }
0x2a: {  	p0 =	seq.s32 s5, $0x0;
	s5 =	sld [smem:$0x3FA8]  }
0x2b: {  	s6 =	sld [smem:$0x3FA9]  }
0x2c: {  	s7 =	sld [smem:$0x3FAA]  }
0x2d: {  	s3 =	simm.s32 $0x108;
	s8 =	sld [smem:$0x3FAB]  }
0x2e: {  	s3 =	simm.s32 @!p0 $0x1082;
	s9 =	sld [smem:$0x3FAC]  }
0x2f: {  	lr =	sadd.s32 s0, s3;
	s0 =	sld [smem:$0x3FA3]  }
0x30: {  	s3 =	sld [smem:$0x3FA6]  }
0x31: {  	[smem:$0x3FAF] =	sst s10  }
0x32: {  	s10 =	sld [smem:$0x3FAD];
	_ =	sdelay $0x3  }
0x33: {  	p0 =	seq.s32 s10, $0x1;
	s10 =	sld [smem:$0x3FAF];
	_ =	sdelay $0x3  }
0x34: {  	[smem:$0x3FAF] =	sst s10  }
0x35: {  	s10 =	sld [smem:$0x3FAE];
	_ =	sdelay $0x3  }
0x36: {  	p1 =	seq.s32 s10, $0x1;
	s10 =	sld [smem:$0x3FAF];
	_ =	sdelay $0x3  }
0x37: {  	[smem:$0x3FAF] =	sst s10  }
0x38: {  	s10 =	sld [smem:$0x3FB0]  }
0x39: {  	_ = 	snop;
	(pc) =	sbr.ind lr, $3  }
0x3a: {  	_ = 	snop  }
0x3b: {  	_ = 	snop  }
0x3c: {  	p2 =	seq.s32 s10, $0x1;
	s10 =	sld [smem:$0x3FAF]  }
0x3d: {  	_ =	shalt  }
0x3e: {  	_ =	shalt  }
0x3f: {  	_ =	shalt  }
0x40: {  	_ =	shalt  }
0x41: {  	_ =	shalt  }
0x42: {  	_ =	shalt  }
0x43: {  	_ =	shalt  }
0x44: {  	_ =	shalt  }
0x45: {  	_ =	shalt  }
0x46: {  	_ =	shalt  }
0x47: {  	_ =	shalt  }
0x48: {  	_ =	shalt  }
0x49: {  	_ =	shalt  }
0x4a: {  	_ =	shalt  }
0x4b: {  	_ =	shalt  }
0x4c: {  	_ =	shalt  }
0x4d: {  	_ =	shalt  }
0x4e: {  	_ =	shalt  }
0x4f: {  	_ =	shalt  }
0x50: {  	_ =	shalt  }
0x51: {  	_ =	shalt  }
0x52: {  	_ =	shalt  }
0x53: {  	_ =	shalt  }
0x54: {  	_ =	shalt  }
0x55: {  	_ =	shalt  }
0x56: {  	_ =	shalt  }
0x57: {  	_ =	shalt  }
0x58: {  	_ =	shalt  }
0x59: {  	_ =	shalt  }
0x5a: {  	_ =	shalt  }
0x5b: {  	_ =	shalt  }
0x5c: {  	_ =	shalt  }
0x5d: {  	_ =	shalt  }
0x5e: {  	_ =	shalt  }
0x5f: {  	_ =	shalt  }
0x60: {  	_ =	shalt  }
0x61: {  	_ =	shalt  }
0x62: {  	_ =	shalt  }
0x63: {  	_ =	shalt  }
0x64: {  	_ =	shalt  }
0x65: {  	_ =	shalt  }
0x66: {  	_ =	shalt  }
0x67: {  	_ =	shalt  }
0x68: {  	_ =	shalt  }
0x69: {  	_ =	shalt  }
0x6a: {  	_ =	shalt  }
0x6b: {  	_ =	shalt  }
0x6c: {  	_ =	shalt  }
0x6d: {  	_ =	shalt  }
0x6e: {  	_ =	shalt  }
0x6f: {  	_ =	shalt  }
0x70: {  	_ =	shalt  }
0x71: {  	_ =	shalt  }
0x72: {  	_ =	shalt  }
0x73: {  	_ =	shalt  }
0x74: {  	_ =	shalt  }
0x75: {  	_ =	shalt  }
0x76: {  	_ =	shalt  }
0x77: {  	_ =	shalt  }
0x78: {  	_ =	shalt  }
0x79: {  	_ =	shalt  }
0x7a: {  	_ =	shalt  }
0x7b: {  	_ =	shalt  }
0x7c: {  	_ =	shalt  }
0x7d: {  	_ =	shalt  }
0x7e: {  	_ =	shalt  }
0x7f: {  	_ =	shalt  }
0x80: {  	_ =	shalt  }
0x81: {  	_ =	shalt  }
0x82: {  	_ =	shalt  }
0x83: {  	_ =	shalt  }
0x84: {  	_ =	shalt  }
0x85: {  	_ =	shalt  }
0x86: {  	_ =	shalt  }
0x87: {  	_ =	shalt  }
.Lfunc_end0:
.L_simem_size_0:
called_computation.4_lowered:
.L_overlay_start_0:
0x88: {  	s2 =	sld [smem:$0x3FD9]  }
0x89: {  	s3 =	sld [smem:$0x3FFE];
	_ =	sdelay $0x1  }
0x8a: {  	s1 =	srdreg.scid  }
0x8b: {  	s0 =	sand.u32 $0x1, s1  }
0x8c: {  	s16 =	sshll.u32 s0, $0xA;
	s2 =	sadd.s32 s3, s2  }
0x8d: {  	s2 =	sadd.s32 s2, s16  }
0x8e: {  	[smem:$0x3FBB] =	sst s2  }
0x8f: {  	_ = 	snop  }
0x90: {  	(tm) =	ssettm $0x1  }
0x91: {  	s17 =	sld [smem:$0x3FFB];
	_ =	sdelay $0x3  }
0x92: {  	_ =	strace s17  }
0x93: {  	s2 =	sld [smem:$0x3FFC];
	_ =	sdelay $0x3  }
0x94: {  	_ =	strace s2  }
0x95: {  	s2 =	sld [smem:$0x3FFD];
	_ =	sdelay $0x3  }
0x96: {  	_ =	strace s2  }
0x97: {  	_ =	strace $0x8FFFFFFF  }
0x98: {  	s18 =	sld [smem:$0x3FDB];
	_ =	sdelay $0x1  }
0x99: {  	s19 =	simm.s32 $_scs_section_size  }
0x9a: {  	s4 =	simm.s32 $_size__tile_overlayer_lowered;
	s5 =	simm.s32 $_tile_overlayer_lowered  }
0x9b: {  	s22 =	simm.s32 $0x1BFF;
	s21 =	sshll.u32 s5, $0x1;
	s2 =	sadd.s32 s19, s18  }
0x9c: {  	s6 =	simm.s32 $0x0;
	s20 =	sshll.u32 s4, $0x1;
	s4 =	sadd.s32 s21, s2  }
0x9d: {  	[timem:s6], [sflag:s22] =	dma.local [hbm:s4], s20  }
0x9e: {  	_ =	swait.ge [sflag:s22], s20  }
0x9f: {  	s3 =	ssub.s32 $0x0, s20;
	[sflag:s22] =	ssyncset.done $0x0  }
0xa0: {  	[sflag:s22] =	ssyncadd.s32 s3;
	_ =	sdelay $0x1  }
0xa1: {  	s23 =	simm.s32 $0x1B8B  }
0xa2: {  	_ =	swait.ge [sflag:s23], $0x1  }
0xa3: {  	[sflag:s23] =	ssyncset.done $0x0  }
0xa4: {  	s25 =	simm.s32 $0x1B8E;
	s24 =	sld [smem:$0x3FFE];
	[sflag:s23] =	ssyncadd.s32 $0xFFFFFFFF  }
0xa5: {  	s26 =	simm.s32 $execute0_lowered;
	[smem:$0x3FD2] =	sst s25  }
0xa6: {  	s4 =	sshll.u32 s26, $0x1;
	_ =	strace $0x80000052;
	[dreg:$0x1] =	wrdreg $0xFFFFFFFF  }
0xa7: {  	s28 =	simm.s32 $_size_execute0_lowered;
	s2 =	sadd.s32 s2, s4;
	[dreg:$0x0] =	wrdreg $0x0  }
0xa8: {  	s4 =	sshll.u32 s28, $0x1;
	[dreg:$0x2] =	wrdreg s2  }
0xa9: {  	[dreg:$0x3] =	wrdreg s4  }
0xaa: {  	[dreg:$0x4] =	wrdreg $0xC0  }
0xab: {  	_ =	task [dreg:s6], $0x5FFFF  }
0xac: {  	[dreg:$0x1] =	wrdreg $0xFFFFFFFF  }
0xad: {  	[dreg:$0x0] =	wrdreg $0x60  }
0xae: {  	[dreg:$0x2] =	wrdreg s24  }
0xaf: {  	[dreg:$0x3] =	wrdreg $0x0  }
0xb0: {  	[dreg:$0x4] =	wrdreg $0x9  }
0xb1: {  	_ =	task.clear_ibuf [dreg:s6], $0x5FFFF;
	_ =	strace $0x90000052  }
0xb2: {  	s29 =	simm.s32 $0x9;
	_ =	strace $0x80000054  }
0xb3: {  	_ =	swait.ge [sflag:s29], $0x1  }
0xb4: {  	[sflag:s29] =	ssyncadd.s32 $0xFFFFFFFF  }
0xb5: {  	_ =	strace $0x90000054  }
0xb6: {  	_ =	sfence  }
0xb7: {  	s30 =	sld [smem:$0x0];
	_ =	sdelay $0x2  }
0xb8: {  	s31 =	sshll.u32 s1, $0xD;
	s1 =	sshrl.u32 s1, $0x2  }
0xb9: {  	s3 =	sand.u32 $0x4000, s31;
	s1 =	sadd.s32 s1, s30  }
0xba: {  	s0 =	sor.u32 s3, s0;
	s1 =	sshll.u32 s1, $0x11  }
0xbb: {  	s0 =	sor.u32 s1, s0  }
0xbc: {  	s0 =	sadd.s32 $0x8F2B, s0  }
0xbd: {  	[sflag:s0] =	ssyncadd.remote.s32 $0x1  }
0xbe: {  	_ =	sfence.sel $0xFFFF  }
0xbf: {  	[dreg:$0x0] =	wrdreg $0xFFFFFFFF;
	(pc) =	sbr.abs _section_cstart, $3  }
0xc0: {  	[dreg:$0x1] =	wrdreg $0xFFFFFFFF  }
0xc1: {  	_ =	task.clear_ibuf [dreg:s6], $0x2FFFF;
	_ =	strace $0x9FFFFFFF  }
0xc2: {  	(tm) =	ssettm $0x7FFFFFFF  }
0xc3: {  	_ =	shalt  }
tec
execute0_lowered:
.L_overlay_start_1:
0x0: {  	(tag) =	ssettag $0x1  }
0x1: {  	s17 =	rddreg [dreg:$0x0]  }
0x2: {  	s2 =	rddreg [dreg:$0x1]  }
0x3: {  	s0 =	rddreg [dreg:$0x2]  }
0x4: {  	s4 =	srdreg.scid;
	s1 =	stileid.u32  }
0x5: {  	s3 =	simm.s32 $0x0;
	s15 =	sand.u32 $0x1, s4;
	s5 =	smul.u32 $0x1800, s1  }
0x6: {  	s29 =	sshll.u32 s1, $0x1;
	[smem:$0x7FF] =	sst s3;
	s4 =	sadd.s32 $0xD800, s17  }
0x7: {  	s30 =	sshll.u32 s1, $0x6;
	s8 =	sor.u32 s15, s29;
	s5 =	sshrl.u32 s5, $0x2  }
0x8: {  	_ =	strace $0x80000053;
	s9 =	smul.u32 $0xC00, s8;
	s6 =	sadd.s32 s5, s2  }
0x9: {  	s5 =	sor.u32 $0x1C01, s30;
	s7 =	sshrl.u32 s6, $0x3;
	s6 =	simm.s32 $0x1  }
0xa: {  	[spmem:s7], [sflag:s5] =	dma.local [hbm:s4], $0xC0  }
0xb: {  	_ =	swait.ge [sflag:s6], $0xC0  }
0xc: {  	s10 =	smul.u32 $0x30, s8;
	s9 =	sadd.s32 s9, s17;
	[sflag:s6] =	ssyncset.done $0x0  }
0xd: {  	s8 =	sadd.s32 $0x18400, s9;
	s9 =	simm.s32 $0x600;
	[sflag:s6] =	ssyncadd.s32 $0xFFFFFF40  }
0xe: {  	[tilespmem:s9], [sflag:$0x1] =	stream.linear.gather [hbm4b:s8+s3], $0x6000, $0x38;
	[tilespmem:$0x6780] =	vst v63  }
0xf: {  	_ =	swait.ge [sflag:s6], $0x6000  }
0x10: {  	s10 =	sadd.s32 s10, s17;
	[sflag:s6] =	ssyncset.done $0x0  }
0x11: {  	s11 =	simm.s32 $0x6600;
	s10 =	sadd.s32 $0xD200, s10;
	[sflag:s6] =	ssyncadd.s32 $0xFFFFA000  }
0x12: {  	[tilespmem:s11], [sflag:$0x1] =	stream.linear.gather [hbm4b:s10+s3], $0x180, $0x38;
	[tilespmem:$0x6780] =	vst v63  }
0x13: {  	_ =	swait.ge [sflag:s6], $0x180  }
0x14: {  	[sflag:s6] =	ssyncset.done $0x0  }
0x15: {  	[sflag:s6] =	ssyncadd.s32 $0xFFFFFE80  }
0x16: {  	s12 =	simm.s32 $0x80;
	[bflag:$0x0] =	sbarrier.arrive $0xFFFF  }
0x17: {  	[spmem:s2] =	stream.indirect.scatter.add.f32 [tilespmem:s9], [sflag:$0x1], $0x40, s11, s12, $0xb8;
	[tilespmem:$0x6780] =	vst v63  }
0x18: {  	s13 =	simm.s32 $0x6680;
	_ =	swait.ge [sflag:s6], $0x2000  }
0x19: {  	s14 =	simm.s32 $0x2600;
	s18 =	sshll.u32 s1, $0xA;
	[sflag:s6] =	ssyncset.done $0x0  }
0x1a: {  	s16 =	sshll.u32 s15, $0xE;
	s20 =	ssub.s32 $0x2, s15;
	[sflag:s6] =	ssyncadd.s32 $0xFFFFE000  }
0x1b: {  	[spmem:s2] =	stream.indirect.scatter.add.f32 [tilespmem:s14], [sflag:$0x1], $0x40, s13, s12, $0xb8;
	[tilespmem:$0x6780] =	vst v63  }
0x1c: {  	s15 =	simm.s32 $0x6700;
	s19 =	sor.u32 s18, s16;
	_ =	swait.ge [sflag:s6], $0x2000  }
0x1d: {  	s16 =	simm.s32 $0x4600;
	s21 =	sshrl.u32 s20, $0x1;
	[sflag:s6] =	ssyncset.done $0x0  }
0x1e: {  	s19 =	sshrl.u32 s19, $0x3;
	s31 =	ssub.s32 s20, s21;
	[sflag:s6] =	ssyncadd.s32 $0xFFFFE000  }
0x1f: {  	[spmem:s2] =	stream.indirect.scatter.add.f32 [tilespmem:s16], [sflag:$0x1], $0x40, s15, s12, $0xb8;
	[tilespmem:$0x6780] =	vst v63  }
0x20: {  	s17 =	sadd.s32 s19, s17;
	s19 =	smax.u32 s31, $0x1;
	_ =	swait.ge [sflag:s6], $0x2000  }
0x21: {  	p0 =	sne.s32 s19, $0x1;
	[sflag:s6] =	ssyncset.done $0x0  }
.Ltmp0:
0x22: {  	s18 =	sadd.s32 s18, s2;
	[sflag:s6] =	ssyncadd.s32 $0xFFFFE000;
	(pc) =	sbr.rel @!p0 .LBB2_2-.Ltmp0, $4  }
0x23: {  	s18 =	sshrl.u32 s18, $0x3;
	s17 =	sadd.s32 $0xEC00, s17;
	[bflag:$0x0] =	sbarrier.arrive $0xFFFF  }
0x24: {  	[hbm:s17], [sflag:s5] =	dma.local [spmem:s18], $0x80  }
0x25: {  	_ =	swait.ge [sflag:s6], $0x80  }
0x26: {  	s19 =	sadd.s32 $0xFFFFFFFF, s19;
	[sflag:s6] =	ssyncset.done $0x0  }
.LBB2_1:
0x27: {  	p0 =	sne.s32 s19, $0x1;
	s19 =	sadd.s32 $0xFFFFFFFF, s19;
	[sflag:s6] =	ssyncadd.s32 $0xFFFFFF80  }
0x28: {  	[spmem:s7], [sflag:s5] =	dma.local [hbm:s4], $0xC0  }
0x29: {  	_ =	swait.ge [sflag:s6], $0xC0  }
0x2a: {  	[sflag:s6] =	ssyncset.done $0x0  }
0x2b: {  	[sflag:s6] =	ssyncadd.s32 $0xFFFFFF40  }
0x2c: {  	[tilespmem:s9], [sflag:$0x1] =	stream.linear.gather [hbm4b:s8+s3], $0x6000, $0x38;
	[tilespmem:$0x6780] =	vst v63  }
0x2d: {  	_ =	swait.ge [sflag:s6], $0x6000  }
0x2e: {  	[sflag:s6] =	ssyncset.done $0x0  }
0x2f: {  	[sflag:s6] =	ssyncadd.s32 $0xFFFFA000  }
0x30: {  	[tilespmem:s11], [sflag:$0x1] =	stream.linear.gather [hbm4b:s10+s3], $0x180, $0x38;
	[tilespmem:$0x6780] =	vst v63  }
0x31: {  	_ =	swait.ge [sflag:s6], $0x180  }
0x32: {  	[sflag:s6] =	ssyncset.done $0x0  }
0x33: {  	[sflag:s6] =	ssyncadd.s32 $0xFFFFFE80  }
0x34: {  	[bflag:$0x0] =	sbarrier.arrive $0xFFFF  }
0x35: {  	[spmem:s2] =	stream.indirect.scatter.add.f32 [tilespmem:s9], [sflag:$0x1], $0x40, s11, s12, $0xb8;
	[tilespmem:$0x6780] =	vst v63  }
0x36: {  	_ =	swait.ge [sflag:s6], $0x2000  }
0x37: {  	[sflag:s6] =	ssyncset.done $0x0  }
0x38: {  	[sflag:s6] =	ssyncadd.s32 $0xFFFFE000  }
0x39: {  	[spmem:s2] =	stream.indirect.scatter.add.f32 [tilespmem:s14], [sflag:$0x1], $0x40, s13, s12, $0xb8;
	[tilespmem:$0x6780] =	vst v63  }
0x3a: {  	_ =	swait.ge [sflag:s6], $0x2000  }
0x3b: {  	[sflag:s6] =	ssyncset.done $0x0  }
0x3c: {  	[sflag:s6] =	ssyncadd.s32 $0xFFFFE000  }
0x3d: {  	[spmem:s2] =	stream.indirect.scatter.add.f32 [tilespmem:s16], [sflag:$0x1], $0x40, s15, s12, $0xb8;
	[tilespmem:$0x6780] =	vst v63  }
0x3e: {  	_ =	swait.ge [sflag:s6], $0x2000  }
0x3f: {  	[sflag:s6] =	ssyncset.done $0x0  }
.Ltmp1:
0x40: {  	[sflag:s6] =	ssyncadd.s32 $0xFFFFE000;
	(pc) =	sbr.rel @p0 .LBB2_1-.Ltmp1, $4  }
0x41: {  	[bflag:$0x0] =	sbarrier.arrive $0xFFFF  }
0x42: {  	[hbm:s17], [sflag:s5] =	dma.local [spmem:s18], $0x80  }
0x43: {  	_ =	swait.ge [sflag:s6], $0x80  }
0x44: {  	[sflag:s6] =	ssyncset.done $0x0  }
.LBB2_2:
0x45: {  	[sflag:s6] =	ssyncadd.s32 $0xFFFFFF80  }
0x46: {  	_ =	sfence.sel $0x180000  }
0x47: {  	[bflag:$0x0] =	sbarrier.arrive $0xFFFF  }
0x48: {  	p0 =	sne.s32 s1, $0x0;
	_ =	strace $0x90000053  }
0x49: {  	s0 =	sadd.s32 @!p0 $0x100000, s0;
	[bflag:$0x2] =	sbarrier.arrive $0xFFFF  }
0x4a: {  	[sflag:s0] =	ssyncadd.tile.s32 @!p0 $0x1;
	_ =	shalt  }
.Lfunc_end2:
_tile_overlayer_lowered:
.L_overlay_start_2:
0x4b: {  	(tag) =	ssettag $0x2  }
0x4c: {  	s0 =	rddreg [dreg:$0x0];
	s2 =	stileid.u32  }
0x4d: {  	s1 =	rddreg [dreg:$0x1];
	p0 =	sne.s32 s2, $0x0  }
0x4e: {  	s3 =	rddreg [dreg:$0x2];
	[bflag:$0x3] =	sbarrier.arrive $0xFFFF;
	s2 =	simm.s32 @!p0 $0x1C01  }
0x4f: {  	[timem:s3], [sflag:s2] =	dma.local @!p0 [hbm:s0], s1  }
0x50: {  	s0 =	simm.s32 @!p0 $0x1  }
0x51: {  	_ =	swait.ge @!p0 [sflag:s0], s1  }
0x52: {  	s1 =	ssub.s32 @!p0 $0x0, s1;
	[sflag:s0] =	ssyncset.done @!p0 $0x0  }
0x53: {  	[sflag:s0] =	ssyncadd.s32 @!p0 s1  }
0x54: {  	[bflag:$0x3] =	sbarrier.arrive $0xFFFF  }
0x55: {  	_ =	shalt  }

</sc_bundles>
